<compile_context>
chip_gen: v7x
topology: tpu7x:2x2x1
jax: 0.10.2.dev20260603
libtpu: 0.0.44.dev20260713+nightly
codegen_flags: <defaults>
</compile_context>

<pallas_src>
import functools

import jax
import jax.numpy as jnp
from jax import lax
from jax.experimental import pallas as pl
from jax.experimental.pallas import tpu as pltpu
from jax.experimental.pallas import tpu_sc as plsc

N = 10000
D = 128
E = 320000
NC = 2
NS = 16
NW = NC * NS
CHUNK = 128
NP = 10112
ROWS_PER_TILE = NP // NS
E_TOT = E + N
CH = -(-E_TOT // (NW * CHUNK))
EP = NW * CH * CHUNK
TRASH = N
ZROW = N + 1

_mesh = plsc.VectorSubcoreMesh(
    core_axis_name="c", subcore_axis_name="s", num_cores=NC, num_subcores=NS
)


@functools.partial(
    pl.kernel,
    out_type=jax.ShapeDtypeStruct((NC, NP, 16), jnp.float32),
    mesh=_mesh,
    scratch_types=[
        pltpu.VMEM_SHARED((NP, 16), jnp.float32),
        pltpu.VMEM((CH, CHUNK), jnp.int32),
        pltpu.VMEM((CHUNK, 16), jnp.float32),
    ],
)
def _deg_kernel(dst_hbm, zeros_hbm, ones_hbm, out_hbm, degw_sh, dstv, ones_v):
    c = lax.axis_index("c")
    s = lax.axis_index("s")
    wid = s * NC + c
    pltpu.sync_copy(
        zeros_hbm.at[pl.ds(s * ROWS_PER_TILE, ROWS_PER_TILE)],
        degw_sh.at[pl.ds(s * ROWS_PER_TILE, ROWS_PER_TILE)],
    )
    pltpu.sync_copy(ones_hbm, ones_v)
    pltpu.sync_copy(dst_hbm.at[wid], dstv)
    plsc.subcore_barrier()

    @pl.loop(0, CH)
    def _(j):
        pltpu.sync_copy(ones_v, degw_sh.at[dstv.at[j]], add=True)

    plsc.subcore_barrier()
    pltpu.sync_copy(
        degw_sh.at[pl.ds(s * ROWS_PER_TILE, ROWS_PER_TILE)],
        out_hbm.at[c, pl.ds(s * ROWS_PER_TILE, ROWS_PER_TILE)],
    )


def _matmul_body(x_ref, w_ref, degw_ref, o_ref):
    h = jnp.dot(x_ref[...], w_ref[...], preferred_element_type=jnp.float32)
    deg = degw_ref[0, :, :1] + degw_ref[1, :, :1]
    dis = jnp.where(deg > 0.0, lax.rsqrt(deg), 0.0)
    o_ref[...] = h * dis


_matmul = pl.pallas_call(
    _matmul_body,
    grid=(NP // 128,),
    in_specs=[
        pl.BlockSpec((128, D), lambda j: (j, 0)),
        pl.BlockSpec((D, D), lambda j: (0, 0)),
        pl.BlockSpec((NC, 128, 16), lambda j: (0, j, 0)),
    ],
    out_specs=pl.BlockSpec((128, D), lambda j: (j, 0)),
    out_shape=jax.ShapeDtypeStruct((NP, D), jnp.float32),
)


@functools.partial(
    pl.kernel,
    out_type=jax.ShapeDtypeStruct((NC, NP, D), jnp.float32),
    mesh=_mesh,
    scratch_types=[
        pltpu.VMEM_SHARED((NP, D), jnp.float32),
        pltpu.VMEM((CH, CHUNK), jnp.int32),
        pltpu.VMEM((CH, CHUNK), jnp.int32),
        pltpu.VMEM((CHUNK, D), jnp.float32),
        pltpu.SemaphoreType.DMA,
    ],
)
def _agg_kernel(h_hbm, src_hbm, dst_hbm, zeros_hbm, out_hbm,
                acc_sh, srcv, dstv, stag, gsem):
    c = lax.axis_index("c")
    s = lax.axis_index("s")
    wid = s * NC + c
    pltpu.sync_copy(
        zeros_hbm.at[pl.ds(s * ROWS_PER_TILE, ROWS_PER_TILE)],
        acc_sh.at[pl.ds(s * ROWS_PER_TILE, ROWS_PER_TILE)],
    )
    pltpu.sync_copy(src_hbm.at[wid], srcv)
    pltpu.sync_copy(dst_hbm.at[wid], dstv)
    plsc.subcore_barrier()

    @pl.loop(0, CH)
    def _(j):
        pltpu.async_copy(h_hbm.at[srcv.at[j]], stag, gsem).wait()
        pltpu.sync_copy(stag, acc_sh.at[dstv.at[j]], add=True)

    plsc.subcore_barrier()
    pltpu.sync_copy(
        acc_sh.at[pl.ds(s * ROWS_PER_TILE, ROWS_PER_TILE)],
        out_hbm.at[c, pl.ds(s * ROWS_PER_TILE, ROWS_PER_TILE)],
    )


def _final_body(acc_ref, degw_ref, b_ref, gamma_ref, beta_ref, o_ref):
    a = acc_ref[0, :N, :] + acc_ref[1, :N, :]
    deg = degw_ref[0, :N, :1] + degw_ref[1, :N, :1]
    pre = a * lax.rsqrt(deg) + b_ref[...]
    mean = jnp.mean(pre, axis=0, keepdims=True)
    var = jnp.mean((pre - mean) * (pre - mean), axis=0, keepdims=True)
    o = (pre - mean) * lax.rsqrt(var + 1e-5) * gamma_ref[...] + beta_ref[...]
    o_ref[...] = jnp.maximum(o, 0.0)


_final = pl.pallas_call(
    _final_body,
    out_shape=jax.ShapeDtypeStruct((N, D), jnp.float32),
)


def kernel(x, edge_index, W, b, gamma, beta):
    loop_idx = jnp.arange(N, dtype=jnp.int32)
    pad = EP - E_TOT
    src_all = jnp.concatenate(
        [edge_index[0], loop_idx, jnp.full((pad,), ZROW, jnp.int32)]
    ).reshape(NW, CH, CHUNK)
    dst_all = jnp.concatenate(
        [edge_index[1], loop_idx, jnp.full((pad,), TRASH, jnp.int32)]
    ).reshape(NW, CH, CHUNK)
    x_pad = jnp.concatenate([x, jnp.zeros((NP - N, D), jnp.float32)])

    degw = _deg_kernel(
        dst_all, jnp.zeros((NP, 16), jnp.float32), jnp.ones((CHUNK, 16), jnp.float32)
    )
    h_t = _matmul(x_pad, W, degw)
    acc = _agg_kernel(h_t, src_all, dst_all, jnp.zeros((NP, D), jnp.float32))
    return _final(
        acc, degw, b.reshape(1, D), gamma.reshape(1, D), beta.reshape(1, D)
    )

# --- scband reference (transcript-rebuilt; emitter-appended) ---
"""Pipeline reference for scband-conv-layer-53137335386622 (READ-ONLY COPY).

The authoritative reference and input builder live on the scoring server;
editing this copy changes nothing except your own understanding.
"""

import jax, jax.numpy as jnp
import numpy as np

N, E, D_IN, D_OUT = 10000, 320000, 128, 128

def setup_inputs(seed: int = 0) -> dict:
    key = jax.random.key(seed)
    k1, k2, k3 = jax.random.split(key, 3)
    x = jax.random.normal(k1, (N, D_IN), dtype=jnp.float32)
    edge_index = jax.random.randint(k2, (2, E), 0, N, dtype=jnp.int32)
    # GCNConv linear weight (lin has bias=False; separate bias added after aggregation)
    W = jax.random.normal(k3, (D_IN, D_OUT), dtype=jnp.float32) * (1.0 / np.sqrt(D_IN))
    b = jnp.zeros((D_OUT,), dtype=jnp.float32)
    gamma = jnp.ones((D_OUT,), dtype=jnp.float32)
    beta = jnp.zeros((D_OUT,), dtype=jnp.float32)
    return {"x": x, "edge_index": edge_index, "W": W, "b": b, "gamma": gamma, "beta": beta}

def reference(x, edge_index, W, b, gamma, beta):
    n = x.shape[0]
    loop = jnp.arange(n, dtype=edge_index.dtype)
    src = jnp.concatenate([edge_index[0], loop])
    dst = jnp.concatenate([edge_index[1], loop])
    # symmetric GCN normalization computed from in-degree after adding self-loops
    deg = jnp.zeros((n,), dtype=x.dtype).at[dst].add(1.0)
    dis = jnp.where(deg > 0, deg ** -0.5, 0.0)
    norm = dis[src] * dis[dst]
    h = x @ W
    msgs = h[src] * norm[:, None]
    out = jnp.zeros((n, h.shape[1]), dtype=x.dtype).at[dst].add(msgs)
    out = out + b
    # BatchNorm1d in training mode (batch statistics, biased variance)
    mean = out.mean(axis=0)
    var = out.var(axis=0)
    out = (out - mean) / jnp.sqrt(var + 1e-5) * gamma + beta
    # ReLU
    return jnp.maximum(out, 0.0)

if __name__ == "__main__":
    import jax
    _d = setup_inputs()
    print(jax.jit(kernel)(*tuple(_d.values())))

</pallas_src>

<mosaic_0001>
#map = affine_map<(d0, d1) -> (0, 0)>
#map1 = affine_map<(d0, d1) -> (0, 0, 0)>
module attributes {stable_mosaic.version = 14 : i64} {
  func.func @_agg_kernel(%arg0: i32, %arg1: i32, %arg2: memref<10112x128xf32, #tpu.memory_space<hbm>>, %arg3: memref<32x81x128xi32, #tpu.memory_space<hbm>>, %arg4: memref<32x81x128xi32, #tpu.memory_space<hbm>>, %arg5: memref<10112x128xf32, #tpu.memory_space<hbm>>, %arg6: memref<2x10112x128xf32, #tpu.memory_space<hbm>>, %arg7: memref<10112x128xf32, #tpu.memory_space<vmem_shared>>, %arg8: memref<81x128xi32, #tpu.memory_space<vmem>>, %arg9: memref<81x128xi32, #tpu.memory_space<vmem>>, %arg10: memref<128x128xf32, #tpu.memory_space<vmem>>, %arg11: memref<!tpu.dma_semaphore, #tpu.memory_space<semaphore_mem>>) attributes {dimension_semantics = [#tpu.dimension_semantics<core_parallel>, #tpu.dimension_semantics<subcore_parallel>], iteration_bounds = array<i64: 2, 16>, scalar_prefetch = 0 : i64, scratch_operands = 5 : i64, tpu.core_type = #tpu.core_type<sc_vector_subcore>, window_params = [{transform_indices = #map}, {transform_indices = #map1}, {transform_indices = #map1}, {transform_indices = #map}, {transform_indices = #map1}]} {
    %mul3A = arith.constant 2 : i32
    %mul3A_0 = arith.muli %arg1, %mul3A : i32
    %add3A = arith.addi %mul3A_0, %arg0 : i32
    %mul3A_1 = arith.constant 632 : i32
    %mul3A_2 = arith.muli %arg1, %mul3A_1 : i32
    %mul3A_3 = arith.constant 632 : i32
    %mul3A_4 = arith.muli %arg1, %mul3A_3 : i32
    "tpu.region"() ({
      %run_scoped3A = tpu.sem_alloc : memref<!tpu.dma_semaphore, #tpu.memory_space<semaphore_mem>>
      %dma_start3A = arith.constant 0 : i32
      %dma_start3A_14 = tpu.memref_slice %arg7[%mul3A_4, %dma_start3A] : memref<10112x128xf32, #tpu.memory_space<vmem_shared>> -> memref<632x128xf32, #tpu.memory_space<vmem_shared>>
      %dma_start3A_15 = arith.constant 0 : i32
      %dma_start3A_16 = tpu.memref_slice %arg5[%mul3A_2, %dma_start3A_15] : memref<10112x128xf32, #tpu.memory_space<hbm>> -> memref<632x128xf32, #tpu.memory_space<hbm>>
      tpu.enqueue_dma source(%dma_start3A_16 : memref<632x128xf32, #tpu.memory_space<hbm>>) target(%dma_start3A_14 : memref<632x128xf32, #tpu.memory_space<vmem_shared>>) target_semaphore(%run_scoped3A : memref<!tpu.dma_semaphore, #tpu.memory_space<semaphore_mem>>)
      %dma_wait3A = arith.constant 0 : i32
      %dma_wait3A_17 = tpu.memref_slice %arg7[%mul3A_4, %dma_wait3A] : memref<10112x128xf32, #tpu.memory_space<vmem_shared>> -> memref<632x128xf32, #tpu.memory_space<vmem_shared>>
      %dma_wait3A_18 = arith.constant 0 : i32
      %dma_wait3A_19 = tpu.memref_slice %arg5[%mul3A_2, %dma_wait3A_18] : memref<10112x128xf32, #tpu.memory_space<hbm>> -> memref<632x128xf32, #tpu.memory_space<hbm>>
      tpu.wait_dma2 semaphore(%run_scoped3A : memref<!tpu.dma_semaphore, #tpu.memory_space<semaphore_mem>>) src(%dma_wait3A_19 : memref<632x128xf32, #tpu.memory_space<hbm>>) dst(%dma_wait3A_17 : memref<632x128xf32, #tpu.memory_space<vmem_shared>>)
      tpu.yield
    }) : () -> ()
    "tpu.region"() ({
      %run_scoped3A = tpu.sem_alloc : memref<!tpu.dma_semaphore, #tpu.memory_space<semaphore_mem>>
      %dma_start3A = arith.constant 0 : i32
      %dma_start3A_14 = arith.constant 0 : i32
      %dma_start3A_15 = tpu.memref_slice %arg3[%add3A, %dma_start3A, %dma_start3A_14] : memref<32x81x128xi32, #tpu.memory_space<hbm>> -> memref<1x81x128xi32, #tpu.memory_space<hbm>>
      %dma_start3A_16 = tpu.memref_squeeze %dma_start3A_15 : memref<1x81x128xi32, #tpu.memory_space<hbm>> -> memref<81x128xi32, #tpu.memory_space<hbm>>
      %dma_start3A_17 = arith.constant 0 : i32
      %dma_start3A_18 = arith.constant 0 : i32
      %dma_start3A_19 = tpu.memref_slice %arg3[%add3A, %dma_start3A_17, %dma_start3A_18] : memref<32x81x128xi32, #tpu.memory_space<hbm>> -> memref<1x81x128xi32, #tpu.memory_space<hbm>>
      %dma_start3A_20 = tpu.memref_squeeze %dma_start3A_19 : memref<1x81x128xi32, #tpu.memory_space<hbm>> -> memref<81x128xi32, #tpu.memory_space<hbm>>
      tpu.enqueue_dma source(%dma_start3A_20 : memref<81x128xi32, #tpu.memory_space<hbm>>) target(%arg8 : memref<81x128xi32, #tpu.memory_space<vmem>>) target_semaphore(%run_scoped3A : memref<!tpu.dma_semaphore, #tpu.memory_space<semaphore_mem>>)
      %dma_wait3A = arith.constant 0 : i32
      %dma_wait3A_21 = arith.constant 0 : i32
      %dma_wait3A_22 = tpu.memref_slice %arg3[%add3A, %dma_wait3A, %dma_wait3A_21] : memref<32x81x128xi32, #tpu.memory_space<hbm>> -> memref<1x81x128xi32, #tpu.memory_space<hbm>>
      %dma_wait3A_23 = tpu.memref_squeeze %dma_wait3A_22 : memref<1x81x128xi32, #tpu.memory_space<hbm>> -> memref<81x128xi32, #tpu.memory_space<hbm>>
      %dma_wait3A_24 = arith.constant 0 : i32
      %dma_wait3A_25 = arith.constant 0 : i32
      %dma_wait3A_26 = tpu.memref_slice %arg3[%add3A, %dma_wait3A_24, %dma_wait3A_25] : memref<32x81x128xi32, #tpu.memory_space<hbm>> -> memref<1x81x128xi32, #tpu.memory_space<hbm>>
      %dma_wait3A_27 = tpu.memref_squeeze %dma_wait3A_26 : memref<1x81x128xi32, #tpu.memory_space<hbm>> -> memref<81x128xi32, #tpu.memory_space<hbm>>
      tpu.wait_dma2 semaphore(%run_scoped3A : memref<!tpu.dma_semaphore, #tpu.memory_space<semaphore_mem>>) src(%dma_wait3A_27 : memref<81x128xi32, #tpu.memory_space<hbm>>) dst(%arg8 : memref<81x128xi32, #tpu.memory_space<vmem>>)
      tpu.yield
    }) : () -> ()
    "tpu.region"() ({
      %run_scoped3A = tpu.sem_alloc : memref<!tpu.dma_semaphore, #tpu.memory_space<semaphore_mem>>
      %dma_start3A = arith.constant 0 : i32
      %dma_start3A_14 = arith.constant 0 : i32
      %dma_start3A_15 = tpu.memref_slice %arg4[%add3A, %dma_start3A, %dma_start3A_14] : memref<32x81x128xi32, #tpu.memory_space<hbm>> -> memref<1x81x128xi32, #tpu.memory_space<hbm>>
      %dma_start3A_16 = tpu.memref_squeeze %dma_start3A_15 : memref<1x81x128xi32, #tpu.memory_space<hbm>> -> memref<81x128xi32, #tpu.memory_space<hbm>>
      %dma_start3A_17 = arith.constant 0 : i32
      %dma_start3A_18 = arith.constant 0 : i32
      %dma_start3A_19 = tpu.memref_slice %arg4[%add3A, %dma_start3A_17, %dma_start3A_18] : memref<32x81x128xi32, #tpu.memory_space<hbm>> -> memref<1x81x128xi32, #tpu.memory_space<hbm>>
      %dma_start3A_20 = tpu.memref_squeeze %dma_start3A_19 : memref<1x81x128xi32, #tpu.memory_space<hbm>> -> memref<81x128xi32, #tpu.memory_space<hbm>>
      tpu.enqueue_dma source(%dma_start3A_20 : memref<81x128xi32, #tpu.memory_space<hbm>>) target(%arg9 : memref<81x128xi32, #tpu.memory_space<vmem>>) target_semaphore(%run_scoped3A : memref<!tpu.dma_semaphore, #tpu.memory_space<semaphore_mem>>)
      %dma_wait3A = arith.constant 0 : i32
      %dma_wait3A_21 = arith.constant 0 : i32
      %dma_wait3A_22 = tpu.memref_slice %arg4[%add3A, %dma_wait3A, %dma_wait3A_21] : memref<32x81x128xi32, #tpu.memory_space<hbm>> -> memref<1x81x128xi32, #tpu.memory_space<hbm>>
      %dma_wait3A_23 = tpu.memref_squeeze %dma_wait3A_22 : memref<1x81x128xi32, #tpu.memory_space<hbm>> -> memref<81x128xi32, #tpu.memory_space<hbm>>
      %dma_wait3A_24 = arith.constant 0 : i32
      %dma_wait3A_25 = arith.constant 0 : i32
      %dma_wait3A_26 = tpu.memref_slice %arg4[%add3A, %dma_wait3A_24, %dma_wait3A_25] : memref<32x81x128xi32, #tpu.memory_space<hbm>> -> memref<1x81x128xi32, #tpu.memory_space<hbm>>
      %dma_wait3A_27 = tpu.memref_squeeze %dma_wait3A_26 : memref<1x81x128xi32, #tpu.memory_space<hbm>> -> memref<81x128xi32, #tpu.memory_space<hbm>>
      tpu.wait_dma2 semaphore(%run_scoped3A : memref<!tpu.dma_semaphore, #tpu.memory_space<semaphore_mem>>) src(%dma_wait3A_27 : memref<81x128xi32, #tpu.memory_space<hbm>>) dst(%arg9 : memref<81x128xi32, #tpu.memory_space<vmem>>)
      tpu.yield
    }) : () -> ()
    %barrier3A = arith.constant 0 : index
    tpu.barrier barrier_id(%barrier3A)
    %scan3A = arith.constant 0 : i32
    %scan3A_5 = arith.constant 81 : i32
    %scan3A_6 = arith.addi %scan3A, %scan3A_5 : i32
    %scan3A_7 = arith.constant 1 : i32
    scf.for %scan3A_14 = %scan3A to %scan3A_6 step %scan3A_7  : i32 {
      %mul3A_15 = arith.constant 1 : i32
      %mul3A_16 = arith.muli %scan3A_14, %mul3A_15 : i32
      %add3A_17 = arith.constant 0 : i32
      %add3A_18 = arith.addi %add3A_17, %mul3A_16 : i32
      %dma_start3A = arith.constant 0 : i32
      %dma_start3A_19 = tpu.memref_slice %arg8[%add3A_18, %dma_start3A] : memref<81x128xi32, #tpu.memory_space<vmem>> -> memref<1x128xi32, #tpu.memory_space<vmem>>
      %dma_start3A_20 = tpu.memref_squeeze %dma_start3A_19 : memref<1x128xi32, #tpu.memory_space<vmem>> -> memref<128xi32, #tpu.memory_space<vmem>>
      %dma_start3A_21 = arith.constant 0 : i32
      %dma_start3A_22 = arith.constant 0 : i32
      %dma_start3A_23 = tpu.memref_slice %arg2[%dma_start3A_21, %dma_start3A_22] : memref<10112x128xf32, #tpu.memory_space<hbm>> -> memref<10112x128xf32, #tpu.memory_space<hbm>>
      tpu.enqueue_indirect_dma source(%dma_start3A_23 : memref<10112x128xf32, #tpu.memory_space<hbm>>) target(%arg10 : memref<128x128xf32, #tpu.memory_space<vmem>>) offsets(%dma_start3A_20 : memref<128xi32, #tpu.memory_space<vmem>>) semaphore(%arg11 : memref<!tpu.dma_semaphore, #tpu.memory_space<semaphore_mem>>)
      %dma_wait3A = arith.constant 0 : i32
      %dma_wait3A_24 = tpu.memref_slice %arg8[%add3A_18, %dma_wait3A] : memref<81x128xi32, #tpu.memory_space<vmem>> -> memref<1x128xi32, #tpu.memory_space<vmem>>
      %dma_wait3A_25 = tpu.memref_squeeze %dma_wait3A_24 : memref<1x128xi32, #tpu.memory_space<vmem>> -> memref<128xi32, #tpu.memory_space<vmem>>
      %dma_wait3A_26 = arith.constant 0 : i32
      %dma_wait3A_27 = arith.constant 0 : i32
      %dma_wait3A_28 = tpu.memref_slice %arg2[%dma_wait3A_26, %dma_wait3A_27] : memref<10112x128xf32, #tpu.memory_space<hbm>> -> memref<10112x128xf32, #tpu.memory_space<hbm>>
      tpu.wait_indirect_dma semaphore(%arg11 : memref<!tpu.dma_semaphore, #tpu.memory_space<semaphore_mem>>) src(%dma_wait3A_28 : memref<10112x128xf32, #tpu.memory_space<hbm>>) dst(%arg10 : memref<128x128xf32, #tpu.memory_space<vmem>>)
      "tpu.region"() ({
        %run_scoped3A = tpu.sem_alloc : memref<!tpu.dma_semaphore, #tpu.memory_space<semaphore_mem>>
        %dma_start3A_29 = arith.constant 0 : i32
        %dma_start3A_30 = tpu.memref_slice %arg9[%add3A_18, %dma_start3A_29] : memref<81x128xi32, #tpu.memory_space<vmem>> -> memref<1x128xi32, #tpu.memory_space<vmem>>
        %dma_start3A_31 = tpu.memref_squeeze %dma_start3A_30 : memref<1x128xi32, #tpu.memory_space<vmem>> -> memref<128xi32, #tpu.memory_space<vmem>>
        %dma_start3A_32 = arith.constant 0 : i32
        %dma_start3A_33 = arith.constant 0 : i32
        %dma_start3A_34 = tpu.memref_slice %arg7[%dma_start3A_32, %dma_start3A_33] : memref<10112x128xf32, #tpu.memory_space<vmem_shared>> -> memref<10112x128xf32, #tpu.memory_space<vmem_shared>>
        tpu.enqueue_indirect_dma source(%arg10 : memref<128x128xf32, #tpu.memory_space<vmem>>) target(%dma_start3A_34 : memref<10112x128xf32, #tpu.memory_space<vmem_shared>>) offsets(%dma_start3A_31 : memref<128xi32, #tpu.memory_space<vmem>>) semaphore(%run_scoped3A : memref<!tpu.dma_semaphore, #tpu.memory_space<semaphore_mem>>) {add = true}
        %dma_wait3A_35 = arith.constant 0 : i32
        %dma_wait3A_36 = tpu.memref_slice %arg9[%add3A_18, %dma_wait3A_35] : memref<81x128xi32, #tpu.memory_space<vmem>> -> memref<1x128xi32, #tpu.memory_space<vmem>>
        %dma_wait3A_37 = tpu.memref_squeeze %dma_wait3A_36 : memref<1x128xi32, #tpu.memory_space<vmem>> -> memref<128xi32, #tpu.memory_space<vmem>>
        %dma_wait3A_38 = arith.constant 0 : i32
        %dma_wait3A_39 = arith.constant 0 : i32
        %dma_wait3A_40 = tpu.memref_slice %arg7[%dma_wait3A_38, %dma_wait3A_39] : memref<10112x128xf32, #tpu.memory_space<vmem_shared>> -> memref<10112x128xf32, #tpu.memory_space<vmem_shared>>
        tpu.wait_indirect_dma semaphore(%run_scoped3A : memref<!tpu.dma_semaphore, #tpu.memory_space<semaphore_mem>>) src(%arg10 : memref<128x128xf32, #tpu.memory_space<vmem>>) dst(%dma_wait3A_40 : memref<10112x128xf32, #tpu.memory_space<vmem_shared>>)
        tpu.yield
      }) : () -> ()
    }
    %scan3A_8 = arith.constant 81 : i32
    %barrier3A_9 = arith.constant 0 : index
    tpu.barrier barrier_id(%barrier3A_9)
    %mul3A_10 = arith.constant 632 : i32
    %mul3A_11 = arith.muli %arg1, %mul3A_10 : i32
    %mul3A_12 = arith.constant 632 : i32
    %mul3A_13 = arith.muli %arg1, %mul3A_12 : i32
    "tpu.region"() ({
      %run_scoped3A = tpu.sem_alloc : memref<!tpu.dma_semaphore, #tpu.memory_space<semaphore_mem>>
      %dma_start3A = arith.constant 0 : i32
      %dma_start3A_14 = tpu.memref_slice %arg6[%arg0, %mul3A_13, %dma_start3A] : memref<2x10112x128xf32, #tpu.memory_space<hbm>> -> memref<1x632x128xf32, #tpu.memory_space<hbm>>
      %dma_start3A_15 = tpu.memref_squeeze %dma_start3A_14 : memref<1x632x128xf32, #tpu.memory_space<hbm>> -> memref<632x128xf32, #tpu.memory_space<hbm>>
      %dma_start3A_16 = arith.constant 0 : i32
      %dma_start3A_17 = tpu.memref_slice %arg7[%mul3A_11, %dma_start3A_16] : memref<10112x128xf32, #tpu.memory_space<vmem_shared>> -> memref<632x128xf32, #tpu.memory_space<vmem_shared>>
      tpu.enqueue_dma source(%dma_start3A_17 : memref<632x128xf32, #tpu.memory_space<vmem_shared>>) target(%dma_start3A_15 : memref<632x128xf32, #tpu.memory_space<hbm>>) target_semaphore(%run_scoped3A : memref<!tpu.dma_semaphore, #tpu.memory_space<semaphore_mem>>)
      %dma_wait3A = arith.constant 0 : i32
      %dma_wait3A_18 = tpu.memref_slice %arg6[%arg0, %mul3A_13, %dma_wait3A] : memref<2x10112x128xf32, #tpu.memory_space<hbm>> -> memref<1x632x128xf32, #tpu.memory_space<hbm>>
      %dma_wait3A_19 = tpu.memref_squeeze %dma_wait3A_18 : memref<1x632x128xf32, #tpu.memory_space<hbm>> -> memref<632x128xf32, #tpu.memory_space<hbm>>
      %dma_wait3A_20 = arith.constant 0 : i32
      %dma_wait3A_21 = tpu.memref_slice %arg7[%mul3A_11, %dma_wait3A_20] : memref<10112x128xf32, #tpu.memory_space<vmem_shared>> -> memref<632x128xf32, #tpu.memory_space<vmem_shared>>
      tpu.wait_dma2 semaphore(%run_scoped3A : memref<!tpu.dma_semaphore, #tpu.memory_space<semaphore_mem>>) src(%dma_wait3A_21 : memref<632x128xf32, #tpu.memory_space<vmem_shared>>) dst(%dma_wait3A_19 : memref<632x128xf32, #tpu.memory_space<hbm>>)
      tpu.yield
    }) : () -> ()
    return
  }
}

#map = affine_map<(d0, d1) -> (0, 0, 0)>
#map1 = affine_map<(d0, d1) -> (0, 0)>
module attributes {stable_mosaic.version = 14 : i64} {
  func.func @_deg_kernel(%arg0: i32, %arg1: i32, %arg2: memref<32x81x128xi32, #tpu.memory_space<hbm>>, %arg3: memref<10112x16xf32, #tpu.memory_space<hbm>>, %arg4: memref<128x16xf32, #tpu.memory_space<hbm>>, %arg5: memref<2x10112x16xf32, #tpu.memory_space<hbm>>, %arg6: memref<10112x16xf32, #tpu.memory_space<vmem_shared>>, %arg7: memref<81x128xi32, #tpu.memory_space<vmem>>, %arg8: memref<128x16xf32, #tpu.memory_space<vmem>>) attributes {dimension_semantics = [#tpu.dimension_semantics<core_parallel>, #tpu.dimension_semantics<subcore_parallel>], iteration_bounds = array<i64: 2, 16>, scalar_prefetch = 0 : i64, scratch_operands = 3 : i64, tpu.core_type = #tpu.core_type<sc_vector_subcore>, window_params = [{transform_indices = #map}, {transform_indices = #map1}, {transform_indices = #map1}, {transform_indices = #map}]} {
    %mul3A = arith.constant 2 : i32
    %mul3A_0 = arith.muli %arg1, %mul3A : i32
    %add3A = arith.addi %mul3A_0, %arg0 : i32
    %mul3A_1 = arith.constant 632 : i32
    %mul3A_2 = arith.muli %arg1, %mul3A_1 : i32
    %mul3A_3 = arith.constant 632 : i32
    %mul3A_4 = arith.muli %arg1, %mul3A_3 : i32
    "tpu.region"() ({
      %run_scoped3A = tpu.sem_alloc : memref<!tpu.dma_semaphore, #tpu.memory_space<semaphore_mem>>
      %dma_start3A = arith.constant 0 : i32
      %dma_start3A_14 = tpu.memref_slice %arg6[%mul3A_4, %dma_start3A] : memref<10112x16xf32, #tpu.memory_space<vmem_shared>> -> memref<632x16xf32, #tpu.memory_space<vmem_shared>>
      %dma_start3A_15 = arith.constant 0 : i32
      %dma_start3A_16 = tpu.memref_slice %arg3[%mul3A_2, %dma_start3A_15] : memref<10112x16xf32, #tpu.memory_space<hbm>> -> memref<632x16xf32, #tpu.memory_space<hbm>>
      tpu.enqueue_dma source(%dma_start3A_16 : memref<632x16xf32, #tpu.memory_space<hbm>>) target(%dma_start3A_14 : memref<632x16xf32, #tpu.memory_space<vmem_shared>>) target_semaphore(%run_scoped3A : memref<!tpu.dma_semaphore, #tpu.memory_space<semaphore_mem>>)
      %dma_wait3A = arith.constant 0 : i32
      %dma_wait3A_17 = tpu.memref_slice %arg6[%mul3A_4, %dma_wait3A] : memref<10112x16xf32, #tpu.memory_space<vmem_shared>> -> memref<632x16xf32, #tpu.memory_space<vmem_shared>>
      %dma_wait3A_18 = arith.constant 0 : i32
      %dma_wait3A_19 = tpu.memref_slice %arg3[%mul3A_2, %dma_wait3A_18] : memref<10112x16xf32, #tpu.memory_space<hbm>> -> memref<632x16xf32, #tpu.memory_space<hbm>>
      tpu.wait_dma2 semaphore(%run_scoped3A : memref<!tpu.dma_semaphore, #tpu.memory_space<semaphore_mem>>) src(%dma_wait3A_19 : memref<632x16xf32, #tpu.memory_space<hbm>>) dst(%dma_wait3A_17 : memref<632x16xf32, #tpu.memory_space<vmem_shared>>)
      tpu.yield
    }) : () -> ()
    "tpu.region"() ({
      %run_scoped3A = tpu.sem_alloc : memref<!tpu.dma_semaphore, #tpu.memory_space<semaphore_mem>>
      tpu.enqueue_dma source(%arg4 : memref<128x16xf32, #tpu.memory_space<hbm>>) target(%arg8 : memref<128x16xf32, #tpu.memory_space<vmem>>) target_semaphore(%run_scoped3A : memref<!tpu.dma_semaphore, #tpu.memory_space<semaphore_mem>>)
      tpu.wait_dma2 semaphore(%run_scoped3A : memref<!tpu.dma_semaphore, #tpu.memory_space<semaphore_mem>>) src(%arg4 : memref<128x16xf32, #tpu.memory_space<hbm>>) dst(%arg8 : memref<128x16xf32, #tpu.memory_space<vmem>>)
      tpu.yield
    }) : () -> ()
    "tpu.region"() ({
      %run_scoped3A = tpu.sem_alloc : memref<!tpu.dma_semaphore, #tpu.memory_space<semaphore_mem>>
      %dma_start3A = arith.constant 0 : i32
      %dma_start3A_14 = arith.constant 0 : i32
      %dma_start3A_15 = tpu.memref_slice %arg2[%add3A, %dma_start3A, %dma_start3A_14] : memref<32x81x128xi32, #tpu.memory_space<hbm>> -> memref<1x81x128xi32, #tpu.memory_space<hbm>>
      %dma_start3A_16 = tpu.memref_squeeze %dma_start3A_15 : memref<1x81x128xi32, #tpu.memory_space<hbm>> -> memref<81x128xi32, #tpu.memory_space<hbm>>
      %dma_start3A_17 = arith.constant 0 : i32
      %dma_start3A_18 = arith.constant 0 : i32
      %dma_start3A_19 = tpu.memref_slice %arg2[%add3A, %dma_start3A_17, %dma_start3A_18] : memref<32x81x128xi32, #tpu.memory_space<hbm>> -> memref<1x81x128xi32, #tpu.memory_space<hbm>>
      %dma_start3A_20 = tpu.memref_squeeze %dma_start3A_19 : memref<1x81x128xi32, #tpu.memory_space<hbm>> -> memref<81x128xi32, #tpu.memory_space<hbm>>
      tpu.enqueue_dma source(%dma_start3A_20 : memref<81x128xi32, #tpu.memory_space<hbm>>) target(%arg7 : memref<81x128xi32, #tpu.memory_space<vmem>>) target_semaphore(%run_scoped3A : memref<!tpu.dma_semaphore, #tpu.memory_space<semaphore_mem>>)
      %dma_wait3A = arith.constant 0 : i32
      %dma_wait3A_21 = arith.constant 0 : i32
      %dma_wait3A_22 = tpu.memref_slice %arg2[%add3A, %dma_wait3A, %dma_wait3A_21] : memref<32x81x128xi32, #tpu.memory_space<hbm>> -> memref<1x81x128xi32, #tpu.memory_space<hbm>>
      %dma_wait3A_23 = tpu.memref_squeeze %dma_wait3A_22 : memref<1x81x128xi32, #tpu.memory_space<hbm>> -> memref<81x128xi32, #tpu.memory_space<hbm>>
      %dma_wait3A_24 = arith.constant 0 : i32
      %dma_wait3A_25 = arith.constant 0 : i32
      %dma_wait3A_26 = tpu.memref_slice %arg2[%add3A, %dma_wait3A_24, %dma_wait3A_25] : memref<32x81x128xi32, #tpu.memory_space<hbm>> -> memref<1x81x128xi32, #tpu.memory_space<hbm>>
      %dma_wait3A_27 = tpu.memref_squeeze %dma_wait3A_26 : memref<1x81x128xi32, #tpu.memory_space<hbm>> -> memref<81x128xi32, #tpu.memory_space<hbm>>
      tpu.wait_dma2 semaphore(%run_scoped3A : memref<!tpu.dma_semaphore, #tpu.memory_space<semaphore_mem>>) src(%dma_wait3A_27 : memref<81x128xi32, #tpu.memory_space<hbm>>) dst(%arg7 : memref<81x128xi32, #tpu.memory_space<vmem>>)
      tpu.yield
    }) : () -> ()
    %barrier3A = arith.constant 0 : index
    tpu.barrier barrier_id(%barrier3A)
    %scan3A = arith.constant 0 : i32
    %scan3A_5 = arith.constant 81 : i32
    %scan3A_6 = arith.addi %scan3A, %scan3A_5 : i32
    %scan3A_7 = arith.constant 1 : i32
    scf.for %scan3A_14 = %scan3A to %scan3A_6 step %scan3A_7  : i32 {
      %mul3A_15 = arith.constant 1 : i32
      %mul3A_16 = arith.muli %scan3A_14, %mul3A_15 : i32
      %add3A_17 = arith.constant 0 : i32
      %add3A_18 = arith.addi %add3A_17, %mul3A_16 : i32
      "tpu.region"() ({
        %run_scoped3A = tpu.sem_alloc : memref<!tpu.dma_semaphore, #tpu.memory_space<semaphore_mem>>
        %dma_start3A = arith.constant 0 : i32
        %dma_start3A_19 = tpu.memref_slice %arg7[%add3A_18, %dma_start3A] : memref<81x128xi32, #tpu.memory_space<vmem>> -> memref<1x128xi32, #tpu.memory_space<vmem>>
        %dma_start3A_20 = tpu.memref_squeeze %dma_start3A_19 : memref<1x128xi32, #tpu.memory_space<vmem>> -> memref<128xi32, #tpu.memory_space<vmem>>
        %dma_start3A_21 = arith.constant 0 : i32
        %dma_start3A_22 = arith.constant 0 : i32
        %dma_start3A_23 = tpu.memref_slice %arg6[%dma_start3A_21, %dma_start3A_22] : memref<10112x16xf32, #tpu.memory_space<vmem_shared>> -> memref<10112x16xf32, #tpu.memory_space<vmem_shared>>
        tpu.enqueue_indirect_dma source(%arg8 : memref<128x16xf32, #tpu.memory_space<vmem>>) target(%dma_start3A_23 : memref<10112x16xf32, #tpu.memory_space<vmem_shared>>) offsets(%dma_start3A_20 : memref<128xi32, #tpu.memory_space<vmem>>) semaphore(%run_scoped3A : memref<!tpu.dma_semaphore, #tpu.memory_space<semaphore_mem>>) {add = true}
        %dma_wait3A = arith.constant 0 : i32
        %dma_wait3A_24 = tpu.memref_slice %arg7[%add3A_18, %dma_wait3A] : memref<81x128xi32, #tpu.memory_space<vmem>> -> memref<1x128xi32, #tpu.memory_space<vmem>>
        %dma_wait3A_25 = tpu.memref_squeeze %dma_wait3A_24 : memref<1x128xi32, #tpu.memory_space<vmem>> -> memref<128xi32, #tpu.memory_space<vmem>>
        %dma_wait3A_26 = arith.constant 0 : i32
        %dma_wait3A_27 = arith.constant 0 : i32
        %dma_wait3A_28 = tpu.memref_slice %arg6[%dma_wait3A_26, %dma_wait3A_27] : memref<10112x16xf32, #tpu.memory_space<vmem_shared>> -> memref<10112x16xf32, #tpu.memory_space<vmem_shared>>
        tpu.wait_indirect_dma semaphore(%run_scoped3A : memref<!tpu.dma_semaphore, #tpu.memory_space<semaphore_mem>>) src(%arg8 : memref<128x16xf32, #tpu.memory_space<vmem>>) dst(%dma_wait3A_28 : memref<10112x16xf32, #tpu.memory_space<vmem_shared>>)
        tpu.yield
      }) : () -> ()
    }
    %scan3A_8 = arith.constant 81 : i32
    %barrier3A_9 = arith.constant 0 : index
    tpu.barrier barrier_id(%barrier3A_9)
    %mul3A_10 = arith.constant 632 : i32
    %mul3A_11 = arith.muli %arg1, %mul3A_10 : i32
    %mul3A_12 = arith.constant 632 : i32
    %mul3A_13 = arith.muli %arg1, %mul3A_12 : i32
    "tpu.region"() ({
      %run_scoped3A = tpu.sem_alloc : memref<!tpu.dma_semaphore, #tpu.memory_space<semaphore_mem>>
      %dma_start3A = arith.constant 0 : i32
      %dma_start3A_14 = tpu.memref_slice %arg5[%arg0, %mul3A_13, %dma_start3A] : memref<2x10112x16xf32, #tpu.memory_space<hbm>> -> memref<1x632x16xf32, #tpu.memory_space<hbm>>
      %dma_start3A_15 = tpu.memref_squeeze %dma_start3A_14 : memref<1x632x16xf32, #tpu.memory_space<hbm>> -> memref<632x16xf32, #tpu.memory_space<hbm>>
      %dma_start3A_16 = arith.constant 0 : i32
      %dma_start3A_17 = tpu.memref_slice %arg6[%mul3A_11, %dma_start3A_16] : memref<10112x16xf32, #tpu.memory_space<vmem_shared>> -> memref<632x16xf32, #tpu.memory_space<vmem_shared>>
      tpu.enqueue_dma source(%dma_start3A_17 : memref<632x16xf32, #tpu.memory_space<vmem_shared>>) target(%dma_start3A_15 : memref<632x16xf32, #tpu.memory_space<hbm>>) target_semaphore(%run_scoped3A : memref<!tpu.dma_semaphore, #tpu.memory_space<semaphore_mem>>)
      %dma_wait3A = arith.constant 0 : i32
      %dma_wait3A_18 = tpu.memref_slice %arg5[%arg0, %mul3A_13, %dma_wait3A] : memref<2x10112x16xf32, #tpu.memory_space<hbm>> -> memref<1x632x16xf32, #tpu.memory_space<hbm>>
      %dma_wait3A_19 = tpu.memref_squeeze %dma_wait3A_18 : memref<1x632x16xf32, #tpu.memory_space<hbm>> -> memref<632x16xf32, #tpu.memory_space<hbm>>
      %dma_wait3A_20 = arith.constant 0 : i32
      %dma_wait3A_21 = tpu.memref_slice %arg6[%mul3A_11, %dma_wait3A_20] : memref<10112x16xf32, #tpu.memory_space<vmem_shared>> -> memref<632x16xf32, #tpu.memory_space<vmem_shared>>
      tpu.wait_dma2 semaphore(%run_scoped3A : memref<!tpu.dma_semaphore, #tpu.memory_space<semaphore_mem>>) src(%dma_wait3A_21 : memref<632x16xf32, #tpu.memory_space<vmem_shared>>) dst(%dma_wait3A_19 : memref<632x16xf32, #tpu.memory_space<hbm>>)
      tpu.yield
    }) : () -> ()
    return
  }
}

module attributes {stable_mosaic.version = 14 : i64} {
  func.func @_matmul_body(%arg0: i32, %arg1: memref<128x128xf32, #tpu.memory_space<vmem>>, %arg2: memref<128x128xf32, #tpu.memory_space<vmem>>, %arg3: memref<2x128x16xf32, #tpu.memory_space<vmem>>, %arg4: memref<128x128xf32, #tpu.memory_space<vmem>>) attributes {dimension_semantics = [#tpu.dimension_semantics<arbitrary>], iteration_bounds = array<i64: 79>, scalar_prefetch = 0 : i64, scratch_operands = 0 : i64, tpu.core_type = #tpu.core_type<tc>, window_params = [{transform_indices = @transform_0, window_bounds = array<i64: 128, 128>}, {pipeline_mode = #tpu.pipeline_mode<synchronous>, transform_indices = @transform_1, window_bounds = array<i64: 128, 128>}, {transform_indices = @transform_2, window_bounds = array<i64: 2, 128, 16>}, {transform_indices = @transform_3, window_bounds = array<i64: 128, 128>}]} {
    %get3A = arith.constant 0 : index
    %get3A_0 = arith.constant 0 : index
    %get3A_1 = vector.load %arg1[%get3A, %get3A_0] : memref<128x128xf32, #tpu.memory_space<vmem>>, vector<128x128xf32>
    %get3A_2 = arith.constant 0 : index
    %get3A_3 = arith.constant 0 : index
    %get3A_4 = vector.load %arg2[%get3A_2, %get3A_3] : memref<128x128xf32, #tpu.memory_space<vmem>>, vector<128x128xf32>
    %dot_general3A = arith.constant dense<0.000000e+00> : vector<128x128xf32>
    %dot_general3A_5 = tpu.matmul %get3A_1, %get3A_4, %dot_general3A {dimension_numbers = #tpu.dot_dimension_numbers<[1], [0], [0], [1], [0, 0, 1, 1], [], []>, transpose_lhs_hint = false} : vector<128x128xf32>, vector<128x128xf32>, vector<128x128xf32> -> vector<128x128xf32>
    %get3A_6 = arith.constant 0 : index
    %get3A_7 = arith.constant 0 : index
    %get3A_8 = arith.constant 0 : index
    %get3A_9 = vector.load %arg3[%get3A_6, %get3A_7, %get3A_8] : memref<2x128x16xf32, #tpu.memory_space<vmem>>, vector<1x128x1xf32>
    %get3A_10 = vector.shape_cast %get3A_9 : vector<1x128x1xf32> to vector<128x1xf32>
    %get3A_11 = arith.constant 1 : index
    %get3A_12 = arith.constant 0 : index
    %get3A_13 = arith.constant 0 : index
    %get3A_14 = vector.load %arg3[%get3A_11, %get3A_12, %get3A_13] : memref<2x128x16xf32, #tpu.memory_space<vmem>>, vector<1x128x1xf32>
    %get3A_15 = vector.shape_cast %get3A_14 : vector<1x128x1xf32> to vector<128x1xf32>
    %add3A = arith.addf %get3A_10, %get3A_15 : vector<128x1xf32>
    %gt3A = arith.constant 0.000000e+00 : f32
    %gt3A_16 = vector.broadcast %gt3A : f32 to vector<128x1xf32>
    %gt3A_17 = arith.cmpf ogt, %add3A, %gt3A_16 : vector<128x1xf32>
    %rsqrt3A = math.rsqrt %add3A : vector<128x1xf32>
    %jit3A = arith.constant 0.000000e+00 : f32
    %broadcast_in_dim3A = vector.broadcast %jit3A : f32 to vector<128x1xf32>
    %select_n3A = arith.select %gt3A_17, %rsqrt3A, %broadcast_in_dim3A : vector<128x1xi1>, vector<128x1xf32>
    %mul3A = vector.broadcast %select_n3A : vector<128x1xf32> to vector<128x128xf32>
    %mul3A_18 = arith.mulf %dot_general3A_5, %mul3A : vector<128x128xf32>
    %swap3A = arith.constant 0 : index
    %swap3A_19 = arith.constant 0 : index
    %swap3A_20 = vector.load %arg4[%swap3A, %swap3A_19] : memref<128x128xf32, #tpu.memory_space<vmem>>, vector<128x128xf32>
    tpu.vector_store %arg4[%swap3A, %swap3A_19], %mul3A_18 {strides = array<i32>} : memref<128x128xf32, #tpu.memory_space<vmem>>, vector<128x128xf32>,
    return
  }
  func.func @transform_0(%arg0: i32) -> (i32, i32) {
    %c0_i32 = arith.constant 0 : i32
    %c0_i32_0 = arith.constant 0 : i32
    return %arg0, %c0_i32 : i32, i32
  }
  func.func @transform_1(%arg0: i32) -> (i32, i32) {
    %c0_i32 = arith.constant 0 : i32
    %c0_i32_0 = arith.constant 0 : i32
    %c0_i32_1 = arith.constant 0 : i32
    return %c0_i32, %c0_i32_0 : i32, i32
  }
  func.func @transform_2(%arg0: i32) -> (i32, i32, i32) {
    %c0_i32 = arith.constant 0 : i32
    %c0_i32_0 = arith.constant 0 : i32
    %c0_i32_1 = arith.constant 0 : i32
    return %c0_i32, %arg0, %c0_i32_0 : i32, i32, i32
  }
  func.func @transform_3(%arg0: i32) -> (i32, i32) {
    %c0_i32 = arith.constant 0 : i32
    %c0_i32_0 = arith.constant 0 : i32
    return %arg0, %c0_i32 : i32, i32
  }
}

module attributes {stable_mosaic.version = 14 : i64} {
  func.func @_final_body(%arg0: memref<2x10112x128xf32, #tpu.memory_space<vmem>>, %arg1: memref<2x10112x16xf32, #tpu.memory_space<vmem>>, %arg2: memref<1x128xf32, #tpu.memory_space<vmem>>, %arg3: memref<1x128xf32, #tpu.memory_space<vmem>>, %arg4: memref<1x128xf32, #tpu.memory_space<vmem>>, %arg5: memref<10000x128xf32, #tpu.memory_space<vmem>>) attributes {dimension_semantics = [], scalar_prefetch = 0 : i64, scratch_operands = 0 : i64, tpu.core_type = #tpu.core_type<tc>} {
    %get3A = arith.constant 0 : index
    %get3A_0 = arith.constant 0 : index
    %get3A_1 = arith.constant 0 : index
    %get3A_2 = vector.load %arg0[%get3A, %get3A_0, %get3A_1] : memref<2x10112x128xf32, #tpu.memory_space<vmem>>, vector<1x10000x128xf32>
    %get3A_3 = vector.shape_cast %get3A_2 : vector<1x10000x128xf32> to vector<10000x128xf32>
    %get3A_4 = arith.constant 1 : index
    %get3A_5 = arith.constant 0 : index
    %get3A_6 = arith.constant 0 : index
    %get3A_7 = vector.load %arg0[%get3A_4, %get3A_5, %get3A_6] : memref<2x10112x128xf32, #tpu.memory_space<vmem>>, vector<1x10000x128xf32>
    %get3A_8 = vector.shape_cast %get3A_7 : vector<1x10000x128xf32> to vector<10000x128xf32>
    %add3A = arith.addf %get3A_3, %get3A_8 : vector<10000x128xf32>
    %get3A_9 = arith.constant 0 : index
    %get3A_10 = arith.constant 0 : index
    %get3A_11 = arith.constant 0 : index
    %get3A_12 = vector.load %arg1[%get3A_9, %get3A_10, %get3A_11] : memref<2x10112x16xf32, #tpu.memory_space<vmem>>, vector<1x10000x1xf32>
    %get3A_13 = vector.shape_cast %get3A_12 : vector<1x10000x1xf32> to vector<10000x1xf32>
    %get3A_14 = arith.constant 1 : index
    %get3A_15 = arith.constant 0 : index
    %get3A_16 = arith.constant 0 : index
    %get3A_17 = vector.load %arg1[%get3A_14, %get3A_15, %get3A_16] : memref<2x10112x16xf32, #tpu.memory_space<vmem>>, vector<1x10000x1xf32>
    %get3A_18 = vector.shape_cast %get3A_17 : vector<1x10000x1xf32> to vector<10000x1xf32>
    %add3A_19 = arith.addf %get3A_13, %get3A_18 : vector<10000x1xf32>
    %rsqrt3A = math.rsqrt %add3A_19 : vector<10000x1xf32>
    %mul3A = vector.broadcast %rsqrt3A : vector<10000x1xf32> to vector<10000x128xf32>
    %mul3A_20 = arith.mulf %add3A, %mul3A : vector<10000x128xf32>
    %get3A_21 = arith.constant 0 : index
    %get3A_22 = arith.constant 0 : index
    %get3A_23 = vector.load %arg2[%get3A_21, %get3A_22] : memref<1x128xf32, #tpu.memory_space<vmem>>, vector<1x128xf32>
    %add3A_24 = vector.broadcast %get3A_23 : vector<1x128xf32> to vector<10000x128xf32>
    %add3A_25 = arith.addf %mul3A_20, %add3A_24 : vector<10000x128xf32>
    %reduce_sum3A = arith.constant dense<0.000000e+00> : vector<128xf32>
    %reduce_sum3A_26 = vector.multi_reduction <add>, %add3A_25, %reduce_sum3A [0] : vector<10000x128xf32> to vector<128xf32>
    %broadcast_in_dim3A = vector.shape_cast %reduce_sum3A_26 : vector<128xf32> to vector<1x128xf32>
    %div3A = arith.constant 1.000000e+04 : f32
    %div3A_27 = vector.broadcast %div3A : f32 to vector<1x128xf32>
    %div3A_28 = arith.divf %broadcast_in_dim3A, %div3A_27 : vector<1x128xf32>
    %sub3A = vector.broadcast %div3A_28 : vector<1x128xf32> to vector<10000x128xf32>
    %sub3A_29 = arith.subf %add3A_25, %sub3A : vector<10000x128xf32>
    %sub3A_30 = vector.broadcast %div3A_28 : vector<1x128xf32> to vector<10000x128xf32>
    %sub3A_31 = arith.subf %add3A_25, %sub3A_30 : vector<10000x128xf32>
    %mul3A_32 = arith.mulf %sub3A_29, %sub3A_31 : vector<10000x128xf32>
    %reduce_sum3A_33 = arith.constant dense<0.000000e+00> : vector<128xf32>
    %reduce_sum3A_34 = vector.multi_reduction <add>, %mul3A_32, %reduce_sum3A_33 [0] : vector<10000x128xf32> to vector<128xf32>
    %broadcast_in_dim3A_35 = vector.shape_cast %reduce_sum3A_34 : vector<128xf32> to vector<1x128xf32>
    %div3A_36 = arith.constant 1.000000e+04 : f32
    %div3A_37 = vector.broadcast %div3A_36 : f32 to vector<1x128xf32>
    %div3A_38 = arith.divf %broadcast_in_dim3A_35, %div3A_37 : vector<1x128xf32>
    %sub3A_39 = vector.broadcast %div3A_28 : vector<1x128xf32> to vector<10000x128xf32>
    %sub3A_40 = arith.subf %add3A_25, %sub3A_39 : vector<10000x128xf32>
    %add3A_41 = arith.constant 9.99999974E-6 : f32
    %add3A_42 = vector.broadcast %add3A_41 : f32 to vector<1x128xf32>
    %add3A_43 = arith.addf %div3A_38, %add3A_42 : vector<1x128xf32>
    %rsqrt3A_44 = math.rsqrt %add3A_43 : vector<1x128xf32>
    %mul3A_45 = vector.broadcast %rsqrt3A_44 : vector<1x128xf32> to vector<10000x128xf32>
    %mul3A_46 = arith.mulf %sub3A_40, %mul3A_45 : vector<10000x128xf32>
    %get3A_47 = arith.constant 0 : index
    %get3A_48 = arith.constant 0 : index
    %get3A_49 = vector.load %arg3[%get3A_47, %get3A_48] : memref<1x128xf32, #tpu.memory_space<vmem>>, vector<1x128xf32>
    %mul3A_50 = vector.broadcast %get3A_49 : vector<1x128xf32> to vector<10000x128xf32>
    %mul3A_51 = arith.mulf %mul3A_46, %mul3A_50 : vector<10000x128xf32>
    %get3A_52 = arith.constant 0 : index
    %get3A_53 = arith.constant 0 : index
    %get3A_54 = vector.load %arg4[%get3A_52, %get3A_53] : memref<1x128xf32, #tpu.memory_space<vmem>>, vector<1x128xf32>
    %add3A_55 = vector.broadcast %get3A_54 : vector<1x128xf32> to vector<10000x128xf32>
    %add3A_56 = arith.addf %mul3A_51, %add3A_55 : vector<10000x128xf32>
    %max3A = arith.constant 0.000000e+00 : f32
    %max3A_57 = vector.broadcast %max3A : f32 to vector<10000x128xf32>
    %max3A_58 = arith.maximumf %add3A_56, %max3A_57 : vector<10000x128xf32>
    %swap3A = arith.constant 0 : index
    %swap3A_59 = arith.constant 0 : index
    %swap3A_60 = vector.load %arg5[%swap3A, %swap3A_59] : memref<10000x128xf32, #tpu.memory_space<vmem>>, vector<10000x128xf32>
    tpu.vector_store %arg5[%swap3A, %swap3A_59], %max3A_58 {strides = array<i32>} : memref<10000x128xf32, #tpu.memory_space<vmem>>, vector<10000x128xf32>,
    return
  }
}

</mosaic_0001>

<sc_bundles>
// kernel: kernel.6.cloned.1.call-start
scs
__scs_entry_jumppad:
0x0: {  	(pc) =	sbr.rel $0x88, $3  }
0x1: {  	(tag) =	ssettag $0x0;
	lr =	simm.s32 $0x1  }
0x2: {  	[smem:$0x3F9B] =	sst lr;
	_ =	strace $0xD0000000  }
0x3: {  	_ = 	snop  }
0x4: {  	_ = 	snop  }
0x5: {  	_ = 	snop  }
0x6: {  	_ = 	snop  }
0x7: {  	_ = 	snop  }
__scs_overlays_trampoline_lowered:
0x8: {  	[smem:$0x3FAA] =	sst s0  }
0x9: {  	[smem:$0x3FAB] =	sst s1  }
0xa: {  	[smem:$0x3FAC] =	sst s2  }
0xb: {  	[smem:$0x3FAD] =	sst s3  }
0xc: {  	[smem:$0x3FAE] =	sst s4  }
0xd: {  	[smem:$0x3FAF] =	sst s5  }
0xe: {  	[smem:$0x3FB0] =	sst s6  }
0xf: {  	[smem:$0x3FB1] =	sst s7  }
0x10: {  	[smem:$0x3FB2] =	sst s8  }
0x11: {  	[smem:$0x3FB3] =	sst s9;
	s0 =	simm.s32 @!p0 $0x0  }
0x12: {  	s1 =	sld [smem:$0x3F99];
	s0 =	simm.s32 @p0 $0x1  }
0x13: {  	[smem:$0x3FB4] =	sst s0;
	s0 =	simm.s32 @!p1 $0x0  }
0x14: {  	s2 =	sld [smem:$0x3F98];
	s0 =	simm.s32 @p1 $0x1  }
0x15: {  	[smem:$0x3FB5] =	sst s0;
	s0 =	simm.s32 @!p2 $0x0  }
0x16: {  	s3 =	sld [smem:$0x3FDB];
	s0 =	simm.s32 @p2 $0x1  }
0x17: {  	s4 =	simm.s32 $0x1BF5;
	[smem:$0x3FB7] =	sst s0  }
0x18: {  	s0 =	sld [smem:$0x3F9A];
	_ =	swait.ge [sflag:s4], $0x0  }
0x19: {  	s7 =	sld [smem:$0x3F9B]  }
0x1a: {  	s8 =	sadd.s32 $0xFFFFE003, lr  }
0x1b: {  	s9 =	sadd.s32 $0xFFFFFEF7, lr;
	s5 =	simm.s32 $0xFFFFFFFF;
	p2 =	slt.u32 s8, $0xFFFFF086  }
0x1c: {  	p1 =	slt.u32 s9, $0xF7A;
	s5 =	simm.s32 @!p2 $0x0  }
0x1d: {  	s5 =	simm.s32 @p1 $0x1;
	p0 =	seq.s32 s7, s2  }
0x1e: {  	s7 =	smul.u32 @!p0 $0xF7A, s2;
	p2 =	seq.s32 @!p0 s5, $0x0  }
0x1f: {  	s9 =	smul.u32 $0xF7A, s1;
	s8 =	simm.s32 @!p0 $0x1BF5;
	p2 =	por !p2, p0  }
0x20: {  	[sflag:s8] =	ssyncset.s32 @!p0 $0xFFFFF086;
	s6 =	sadd.s32 @!p0 s3, s7;
	s7 =	simm.s32 @!p0 $0x108  }
0x21: {  	s3 =	sadd.s32 s3, s9;
	s6 =	sadd.s32 @!p0 $0x88, s6;
	s7 =	simm.s32 @p2 $0x1082  }
0x22: {  	[simem:s7], [sflag:s8] =	dma.local @!p0 [hbm:s6], $0xF7A  }
0x23: {  	s9 =	sor.u32 $0xD0000000, s2;
	s6 =	simm.s32 $0x108;
	_ =	swait.ge @!p0 [sflag:s8], $0x0  }
0x24: {  	s3 =	sadd.s32 $0x88, s3;
	s6 =	simm.s32 @!p1 $0x1082;
	[sflag:s4] =	ssyncset.s32 $0xFFFFF086  }
0x25: {  	[simem:s6], [sflag:s4] =	dma.local [hbm:s3], $0xF7A  }
0x26: {  	[smem:$0x3F9B] =	sst s1;
	(tag) =	ssettag s2;
	_ =	strace s9  }
0x27: {  	s1 =	sld [smem:$0x3FAB]  }
0x28: {  	s2 =	sld [smem:$0x3FAC]  }
0x29: {  	s4 =	sld [smem:$0x3FAE]  }
0x2a: {  	p0 =	seq.s32 s5, $0x0;
	s5 =	sld [smem:$0x3FAF]  }
0x2b: {  	s6 =	sld [smem:$0x3FB0]  }
0x2c: {  	s7 =	sld [smem:$0x3FB1]  }
0x2d: {  	s3 =	simm.s32 $0x108;
	s8 =	sld [smem:$0x3FB2]  }
0x2e: {  	s3 =	simm.s32 @!p0 $0x1082;
	s9 =	sld [smem:$0x3FB3]  }
0x2f: {  	lr =	sadd.s32 s0, s3;
	s0 =	sld [smem:$0x3FAA]  }
0x30: {  	s3 =	sld [smem:$0x3FAD]  }
0x31: {  	[smem:$0x3FB6] =	sst s10  }
0x32: {  	s10 =	sld [smem:$0x3FB4];
	_ =	sdelay $0x3  }
0x33: {  	p0 =	seq.s32 s10, $0x1;
	s10 =	sld [smem:$0x3FB6];
	_ =	sdelay $0x3  }
0x34: {  	[smem:$0x3FB6] =	sst s10  }
0x35: {  	s10 =	sld [smem:$0x3FB5];
	_ =	sdelay $0x3  }
0x36: {  	p1 =	seq.s32 s10, $0x1;
	s10 =	sld [smem:$0x3FB6];
	_ =	sdelay $0x3  }
0x37: {  	[smem:$0x3FB6] =	sst s10  }
0x38: {  	s10 =	sld [smem:$0x3FB7]  }
0x39: {  	_ = 	snop;
	(pc) =	sbr.ind lr, $3  }
0x3a: {  	_ = 	snop  }
0x3b: {  	_ = 	snop  }
0x3c: {  	p2 =	seq.s32 s10, $0x1;
	s10 =	sld [smem:$0x3FB6]  }
0x3d: {  	_ =	shalt  }
0x3e: {  	_ =	shalt  }
0x3f: {  	_ =	shalt  }
0x40: {  	_ =	shalt  }
0x41: {  	_ =	shalt  }
0x42: {  	_ =	shalt  }
0x43: {  	_ =	shalt  }
0x44: {  	_ =	shalt  }
0x45: {  	_ =	shalt  }
0x46: {  	_ =	shalt  }
0x47: {  	_ =	shalt  }
0x48: {  	_ =	shalt  }
0x49: {  	_ =	shalt  }
0x4a: {  	_ =	shalt  }
0x4b: {  	_ =	shalt  }
0x4c: {  	_ =	shalt  }
0x4d: {  	_ =	shalt  }
0x4e: {  	_ =	shalt  }
0x4f: {  	_ =	shalt  }
0x50: {  	_ =	shalt  }
0x51: {  	_ =	shalt  }
0x52: {  	_ =	shalt  }
0x53: {  	_ =	shalt  }
0x54: {  	_ =	shalt  }
0x55: {  	_ =	shalt  }
0x56: {  	_ =	shalt  }
0x57: {  	_ =	shalt  }
0x58: {  	_ =	shalt  }
0x59: {  	_ =	shalt  }
0x5a: {  	_ =	shalt  }
0x5b: {  	_ =	shalt  }
0x5c: {  	_ =	shalt  }
0x5d: {  	_ =	shalt  }
0x5e: {  	_ =	shalt  }
0x5f: {  	_ =	shalt  }
0x60: {  	_ =	shalt  }
0x61: {  	_ =	shalt  }
0x62: {  	_ =	shalt  }
0x63: {  	_ =	shalt  }
0x64: {  	_ =	shalt  }
0x65: {  	_ =	shalt  }
0x66: {  	_ =	shalt  }
0x67: {  	_ =	shalt  }
0x68: {  	_ =	shalt  }
0x69: {  	_ =	shalt  }
0x6a: {  	_ =	shalt  }
0x6b: {  	_ =	shalt  }
0x6c: {  	_ =	shalt  }
0x6d: {  	_ =	shalt  }
0x6e: {  	_ =	shalt  }
0x6f: {  	_ =	shalt  }
0x70: {  	_ =	shalt  }
0x71: {  	_ =	shalt  }
0x72: {  	_ =	shalt  }
0x73: {  	_ =	shalt  }
0x74: {  	_ =	shalt  }
0x75: {  	_ =	shalt  }
0x76: {  	_ =	shalt  }
0x77: {  	_ =	shalt  }
0x78: {  	_ =	shalt  }
0x79: {  	_ =	shalt  }
0x7a: {  	_ =	shalt  }
0x7b: {  	_ =	shalt  }
0x7c: {  	_ =	shalt  }
0x7d: {  	_ =	shalt  }
0x7e: {  	_ =	shalt  }
0x7f: {  	_ =	shalt  }
0x80: {  	_ =	shalt  }
0x81: {  	_ =	shalt  }
0x82: {  	_ =	shalt  }
0x83: {  	_ =	shalt  }
0x84: {  	_ =	shalt  }
0x85: {  	_ =	shalt  }
0x86: {  	_ =	shalt  }
0x87: {  	_ =	shalt  }
.Lfunc_end0:
.L_simem_size_0:
called_computation_lowered:
.L_overlay_start_0:
0x88: {  	s2 =	sld [smem:$0x3FD9]  }
0x89: {  	s3 =	sld [smem:$0x3FFE];
	_ =	sdelay $0x1  }
0x8a: {  	s1 =	srdreg.scid  }
0x8b: {  	s0 =	sand.u32 $0x1, s1  }
0x8c: {  	s17 =	sshll.u32 s0, $0xA;
	s2 =	sadd.s32 s3, s2  }
0x8d: {  	s2 =	sadd.s32 s2, s17  }
0x8e: {  	[smem:$0x3FC2] =	sst s2  }
0x8f: {  	_ = 	snop  }
0x90: {  	s2 =	sld [smem:$0x3FD0];
	(tm) =	ssettm $0x1  }
0x91: {  	s18 =	sld [smem:$0x3FFB];
	_ =	sdelay $0x3  }
0x92: {  	_ =	strace s18  }
0x93: {  	s3 =	sld [smem:$0x3FFC];
	_ =	sdelay $0x3  }
0x94: {  	_ =	strace s3  }
0x95: {  	s3 =	sld [smem:$0x3FFD];
	_ =	sdelay $0x3  }
0x96: {  	_ =	strace s3  }
0x97: {  	_ =	strace $0x8FFFFFFF  }
0x98: {  	s19 =	sld [smem:$0x3FDB];
	_ =	sdelay $0x1  }
0x99: {  	s4 =	simm.s32 $_scs_section_size  }
0x9a: {  	s5 =	simm.s32 $_size__tile_overlayer_lowered;
	s6 =	simm.s32 $_tile_overlayer_lowered  }
0x9b: {  	s22 =	simm.s32 $0x1BFF;
	s21 =	sshll.u32 s6, $0x1;
	s3 =	sadd.s32 s4, s19  }
0x9c: {  	s7 =	simm.s32 $0x0;
	s20 =	sshll.u32 s5, $0x1;
	s5 =	sadd.s32 s21, s3  }
0x9d: {  	[timem:s7], [sflag:s22] =	dma.local [hbm:s5], s20  }
0x9e: {  	_ =	swait.ge [sflag:s22], s20  }
0x9f: {  	s4 =	ssub.s32 $0x0, s20;
	[sflag:s22] =	ssyncset.done $0x0  }
0xa0: {  	[sflag:s22] =	ssyncadd.s32 s4;
	_ =	sdelay $0x1  }
0xa1: {  	s23 =	simm.s32 $0x1B8B  }
0xa2: {  	_ =	swait.ge [sflag:s23], $0x1  }
0xa3: {  	[sflag:s23] =	ssyncset.done $0x0  }
0xa4: {  	s25 =	simm.s32 $0x1B8E;
	s24 =	sld [smem:$0x3FFE];
	[sflag:s23] =	ssyncadd.s32 $0xFFFFFFFF  }
0xa5: {  	s26 =	simm.s32 $execute0_lowered;
	[smem:$0x3FD2] =	sst s25  }
0xa6: {  	s5 =	sshll.u32 s26, $0x1;
	_ =	strace $0x80000046;
	[dreg:$0x1] =	wrdreg $0xFFFFFFFF  }
0xa7: {  	s28 =	simm.s32 $_size_execute0_lowered;
	s3 =	sadd.s32 s3, s5;
	[dreg:$0x0] =	wrdreg $0x0  }
0xa8: {  	s5 =	sshll.u32 s28, $0x1;
	[dreg:$0x2] =	wrdreg s3  }
0xa9: {  	[dreg:$0x3] =	wrdreg s5  }
0xaa: {  	[dreg:$0x4] =	wrdreg $0xC0  }
0xab: {  	_ =	task [dreg:s7], $0x5FFFF  }
0xac: {  	[dreg:$0x1] =	wrdreg $0xFFFFFFFF  }
0xad: {  	[dreg:$0x0] =	wrdreg $0x60  }
0xae: {  	[dreg:$0x2] =	wrdreg s2  }
0xaf: {  	[dreg:$0x3] =	wrdreg s24  }
0xb0: {  	[dreg:$0x4] =	wrdreg $0x0  }
0xb1: {  	[dreg:$0x5] =	wrdreg $0x9  }
0xb2: {  	_ =	task.clear_ibuf [dreg:s7], $0x6FFFF;
	_ =	strace $0x90000046  }
0xb3: {  	s29 =	simm.s32 $0x9;
	_ =	strace $0x80000048  }
0xb4: {  	_ =	swait.ge [sflag:s29], $0x1  }
0xb5: {  	[sflag:s29] =	ssyncadd.s32 $0xFFFFFFFF  }
0xb6: {  	_ =	strace $0x90000048  }
0xb7: {  	_ =	sfence  }
0xb8: {  	s30 =	sld [smem:$0x0];
	_ =	sdelay $0x2  }
0xb9: {  	s31 =	sshll.u32 s1, $0xD;
	s1 =	sshrl.u32 s1, $0x2  }
0xba: {  	s3 =	sand.u32 $0x4000, s31;
	s1 =	sadd.s32 s1, s30  }
0xbb: {  	s0 =	sor.u32 s3, s0;
	s1 =	sshll.u32 s1, $0x11  }
0xbc: {  	s0 =	sor.u32 s1, s0  }
0xbd: {  	s0 =	sadd.s32 $0x8F2B, s0  }
0xbe: {  	[sflag:s0] =	ssyncadd.remote.s32 $0x1  }
0xbf: {  	_ =	sfence.sel $0xFFFF  }
0xc0: {  	[dreg:$0x0] =	wrdreg $0xFFFFFFFF;
	(pc) =	sbr.abs _section_cstart, $3  }
0xc1: {  	[dreg:$0x1] =	wrdreg $0xFFFFFFFF  }
0xc2: {  	_ =	task.clear_ibuf [dreg:s7], $0x2FFFF;
	_ =	strace $0x9FFFFFFF  }
0xc3: {  	(tm) =	ssettm $0x7FFFFFFF  }
tec
execute0_lowered:
.L_overlay_start_1:
0x0: {  	(tag) =	ssettag $0x1  }
0x1: {  	s7 =	rddreg [dreg:$0x0]  }
0x2: {  	s5 =	rddreg [dreg:$0x1];
	s0 =	stileid.u32  }
0x3: {  	s1 =	srdreg.scid;
	s2 =	rddreg [dreg:$0x2];
	s3 =	simm.s32 $0x0  }
0x4: {  	s14 =	simm.s32 $0x80;
	s6 =	sand.u32 $0x1, s1;
	s1 =	rddreg [dreg:$0x3]  }
0x5: {  	s15 =	simm.s32 $0x0;
	s4 =	smul.u32 $0x13C00, s0;
	[smem:$0x7FF] =	sst s3  }
0x6: {  	s12 =	smul.u32 $0x4F000, s0;
	s13 =	sshll.u32 s0, $0x1;
	s29 =	sshll.u32 s0, $0x6  }
0x7: {  	s8 =	smul.u32 $0x13C000, s6;
	_ =	strace $0x80000047;
	s10 =	ssub.s32 $0x2, s6  }
0x8: {  	s26 =	sor.u32 s6, s13;
	s6 =	sor.u32 $0x1C01, s29;
	s13 =	simm.s32 $0x2780  }
0x9: {  	s9 =	sshrl.u32 s4, $0x3;
	s11 =	sshrl.u32 s10, $0x1;
	s28 =	sshrl.u32 s12, $0x2  }
0xa: {  	s30 =	smul.u32 $0x580, s26;
	s12 =	simm.s32 $0x5380;
	s9 =	sadd.s32 s9, s5  }
0xb: {  	s8 =	sadd.s32 s4, s8;
	s4 =	sadd.s32 $0x1600, s5;
	s10 =	ssub.s32 s10, s11  }
0xc: {  	s31 =	sadd.s32 s28, s2;
	s11 =	simm.s32 $0x1;
	s8 =	sshrl.u32 s8, $0x3  }
0xd: {  	s7 =	sadd.s32 s7, s30;
	s8 =	sadd.s32 s8, s5;
	s5 =	sadd.s32 $0x1E00, s9  }
0xe: {  	s9 =	smax.u32 s10, $0x1;
	s10 =	sshrl.u32 s31, $0x3;
	s8 =	sadd.s32 $0x29600, s8  }
.LBB2_1:
0xf: {  	[spmem:s10], [sflag:s6] =	dma.local [hbm:s5], $0x2780  }
0x10: {  	_ =	swait.ge [sflag:s11], $0x2780  }
0x11: {  	[sflag:s11] =	ssyncset.done $0x0  }
0x12: {  	[sflag:s11] =	ssyncadd.s32 $0xFFFFD880  }
0x13: {  	[tilespmem:s12], [sflag:$0x1] =	stream.linear.gather [hbm4b:s4+s3], $0x4000, $0x38;
	[tilespmem:$0x9380] =	vst v63  }
0x14: {  	_ =	swait.ge [sflag:s11], $0x4000  }
0x15: {  	[sflag:s11] =	ssyncset.done $0x0  }
0x16: {  	[sflag:s11] =	ssyncadd.s32 $0xFFFFC000  }
0x17: {  	[tilespmem:s13], [sflag:$0x1] =	stream.linear.gather [hbm4b:s7+s3], $0x2880, $0x38;
	[tilespmem:$0x9380] =	vst v63  }
0x18: {  	_ =	swait.ge [sflag:s11], $0x2880  }
0x19: {  	[sflag:s11] =	ssyncset.done $0x0  }
0x1a: {  	[sflag:s11] =	ssyncadd.s32 $0xFFFFD780  }
0x1b: {  	s16 =	simm.s32 $0x2780;
	[bflag:$0x0] =	sbarrier.arrive $0xFFFF  }
0x1c: {  	[spmem:s2] =	stream.indirect.scatter.add.f32 [tilespmem:s12], [sflag:$0x1], $0x10, s16, s14, $0xb8;
	[tilespmem:$0x9380] =	vst v63  }
0x1d: {  	s16 =	simm.s32 $0x200;
	_ =	swait.ge [sflag:s11], $0x800  }
.LBB2_2:
0x1e: {  	s17 =	sshra.s32 s16, $0x2;
	[sflag:s11] =	ssyncset.done $0x0;
	p0 =	sne.s32 s16, $0xA000  }
.Ltmp0:
0x1f: {  	s17 =	sadd.s32 $0x2780, s17;
	[sflag:s11] =	ssyncadd.s32 $0xFFFFF800;
	(pc) =	sbr.rel @p0 .LBB2_2-.Ltmp0, $3  }
0x20: {  	[spmem:s2] =	stream.indirect.scatter.add.f32 [tilespmem:s12], [sflag:$0x1], $0x10, s17, s14, $0xb8;
	[tilespmem:$0x9380] =	vst v63  }
0x21: {  	s16 =	sadd.s32 $0x200, s16;
	_ =	sdelay $0x1  }
0x22: {  	_ =	swait.ge [sflag:s11], $0x800  }
0x23: {  	[sflag:s11] =	ssyncset.done $0x0;
	s15 =	sadd.s32 $0x1, s15  }
0x24: {  	[sflag:s11] =	ssyncadd.s32 $0xFFFFF800;
	p0 =	sne.s32 s15, s9  }
.Ltmp1:
0x25: {  	[bflag:$0x0] =	sbarrier.arrive $0xFFFF;
	(pc) =	sbr.rel @p0 .LBB2_1-.Ltmp1, $4  }
0x26: {  	[hbm:s8], [sflag:s6] =	dma.local [spmem:s10], $0x2780  }
0x27: {  	_ =	swait.ge [sflag:s11], $0x2780  }
0x28: {  	[sflag:s11] =	ssyncset.done $0x0  }
0x29: {  	[sflag:s11] =	ssyncadd.s32 $0xFFFFD880  }
0x2a: {  	_ =	sfence.sel $0x180000  }
0x2b: {  	[bflag:$0x0] =	sbarrier.arrive $0xFFFF  }
0x2c: {  	p0 =	sne.s32 s0, $0x0;
	_ =	strace $0x90000047  }
0x2d: {  	s0 =	sadd.s32 @!p0 $0x100000, s1;
	[bflag:$0x2] =	sbarrier.arrive $0xFFFF  }
0x2e: {  	[sflag:s0] =	ssyncadd.tile.s32 @!p0 $0x1;
	_ =	shalt  }
.Lfunc_end2:
_tile_overlayer_lowered:
.L_overlay_start_2:
0x2f: {  	(tag) =	ssettag $0x2  }
0x30: {  	s0 =	rddreg [dreg:$0x0];
	s2 =	stileid.u32  }
0x31: {  	s1 =	rddreg [dreg:$0x1];
	p0 =	sne.s32 s2, $0x0  }
0x32: {  	s3 =	rddreg [dreg:$0x2];
	[bflag:$0x3] =	sbarrier.arrive $0xFFFF;
	s2 =	simm.s32 @!p0 $0x1C01  }
0x33: {  	[timem:s3], [sflag:s2] =	dma.local @!p0 [hbm:s0], s1  }
0x34: {  	s0 =	simm.s32 @!p0 $0x1  }
0x35: {  	_ =	swait.ge @!p0 [sflag:s0], s1  }
0x36: {  	s1 =	ssub.s32 @!p0 $0x0, s1;
	[sflag:s0] =	ssyncset.done @!p0 $0x0  }
0x37: {  	[sflag:s0] =	ssyncadd.s32 @!p0 s1  }
0x38: {  	[bflag:$0x3] =	sbarrier.arrive $0xFFFF  }
0x39: {  	_ =	shalt  }

// kernel: kernel.9.cloned.1.call-start
scs
__scs_entry_jumppad:
0x0: {  	(pc) =	sbr.rel $0x88, $3  }
0x1: {  	(tag) =	ssettag $0x0;
	lr =	simm.s32 $0x1  }
0x2: {  	[smem:$0x3F9B] =	sst lr;
	_ =	strace $0xD0000000  }
0x3: {  	_ = 	snop  }
0x4: {  	_ = 	snop  }
0x5: {  	_ = 	snop  }
0x6: {  	_ = 	snop  }
0x7: {  	_ = 	snop  }
__scs_overlays_trampoline_lowered:
0x8: {  	[smem:$0x3FAA] =	sst s0  }
0x9: {  	[smem:$0x3FAB] =	sst s1  }
0xa: {  	[smem:$0x3FAC] =	sst s2  }
0xb: {  	[smem:$0x3FAD] =	sst s3  }
0xc: {  	[smem:$0x3FAE] =	sst s4  }
0xd: {  	[smem:$0x3FAF] =	sst s5  }
0xe: {  	[smem:$0x3FB0] =	sst s6  }
0xf: {  	[smem:$0x3FB1] =	sst s7  }
0x10: {  	[smem:$0x3FB2] =	sst s8  }
0x11: {  	[smem:$0x3FB3] =	sst s9;
	s0 =	simm.s32 @!p0 $0x0  }
0x12: {  	s1 =	sld [smem:$0x3F99];
	s0 =	simm.s32 @p0 $0x1  }
0x13: {  	[smem:$0x3FB4] =	sst s0;
	s0 =	simm.s32 @!p1 $0x0  }
0x14: {  	s2 =	sld [smem:$0x3F98];
	s0 =	simm.s32 @p1 $0x1  }
0x15: {  	[smem:$0x3FB5] =	sst s0;
	s0 =	simm.s32 @!p2 $0x0  }
0x16: {  	s3 =	sld [smem:$0x3FDB];
	s0 =	simm.s32 @p2 $0x1  }
0x17: {  	s4 =	simm.s32 $0x1BF5;
	[smem:$0x3FB7] =	sst s0  }
0x18: {  	s0 =	sld [smem:$0x3F9A];
	_ =	swait.ge [sflag:s4], $0x0  }
0x19: {  	s7 =	sld [smem:$0x3F9B]  }
0x1a: {  	s8 =	sadd.s32 $0xFFFFE003, lr  }
0x1b: {  	s9 =	sadd.s32 $0xFFFFFEF7, lr;
	s5 =	simm.s32 $0xFFFFFFFF;
	p2 =	slt.u32 s8, $0xFFFFF086  }
0x1c: {  	p1 =	slt.u32 s9, $0xF7A;
	s5 =	simm.s32 @!p2 $0x0  }
0x1d: {  	s5 =	simm.s32 @p1 $0x1;
	p0 =	seq.s32 s7, s2  }
0x1e: {  	s7 =	smul.u32 @!p0 $0xF7A, s2;
	p2 =	seq.s32 @!p0 s5, $0x0  }
0x1f: {  	s9 =	smul.u32 $0xF7A, s1;
	s8 =	simm.s32 @!p0 $0x1BF5;
	p2 =	por !p2, p0  }
0x20: {  	[sflag:s8] =	ssyncset.s32 @!p0 $0xFFFFF086;
	s6 =	sadd.s32 @!p0 s3, s7;
	s7 =	simm.s32 @!p0 $0x108  }
0x21: {  	s3 =	sadd.s32 s3, s9;
	s6 =	sadd.s32 @!p0 $0x88, s6;
	s7 =	simm.s32 @p2 $0x1082  }
0x22: {  	[simem:s7], [sflag:s8] =	dma.local @!p0 [hbm:s6], $0xF7A  }
0x23: {  	s9 =	sor.u32 $0xD0000000, s2;
	s6 =	simm.s32 $0x108;
	_ =	swait.ge @!p0 [sflag:s8], $0x0  }
0x24: {  	s3 =	sadd.s32 $0x88, s3;
	s6 =	simm.s32 @!p1 $0x1082;
	[sflag:s4] =	ssyncset.s32 $0xFFFFF086  }
0x25: {  	[simem:s6], [sflag:s4] =	dma.local [hbm:s3], $0xF7A  }
0x26: {  	[smem:$0x3F9B] =	sst s1;
	(tag) =	ssettag s2;
	_ =	strace s9  }
0x27: {  	s1 =	sld [smem:$0x3FAB]  }
0x28: {  	s2 =	sld [smem:$0x3FAC]  }
0x29: {  	s4 =	sld [smem:$0x3FAE]  }
0x2a: {  	p0 =	seq.s32 s5, $0x0;
	s5 =	sld [smem:$0x3FAF]  }
0x2b: {  	s6 =	sld [smem:$0x3FB0]  }
0x2c: {  	s7 =	sld [smem:$0x3FB1]  }
0x2d: {  	s3 =	simm.s32 $0x108;
	s8 =	sld [smem:$0x3FB2]  }
0x2e: {  	s3 =	simm.s32 @!p0 $0x1082;
	s9 =	sld [smem:$0x3FB3]  }
0x2f: {  	lr =	sadd.s32 s0, s3;
	s0 =	sld [smem:$0x3FAA]  }
0x30: {  	s3 =	sld [smem:$0x3FAD]  }
0x31: {  	[smem:$0x3FB6] =	sst s10  }
0x32: {  	s10 =	sld [smem:$0x3FB4];
	_ =	sdelay $0x3  }
0x33: {  	p0 =	seq.s32 s10, $0x1;
	s10 =	sld [smem:$0x3FB6];
	_ =	sdelay $0x3  }
0x34: {  	[smem:$0x3FB6] =	sst s10  }
0x35: {  	s10 =	sld [smem:$0x3FB5];
	_ =	sdelay $0x3  }
0x36: {  	p1 =	seq.s32 s10, $0x1;
	s10 =	sld [smem:$0x3FB6];
	_ =	sdelay $0x3  }
0x37: {  	[smem:$0x3FB6] =	sst s10  }
0x38: {  	s10 =	sld [smem:$0x3FB7]  }
0x39: {  	_ = 	snop;
	(pc) =	sbr.ind lr, $3  }
0x3a: {  	_ = 	snop  }
0x3b: {  	_ = 	snop  }
0x3c: {  	p2 =	seq.s32 s10, $0x1;
	s10 =	sld [smem:$0x3FB6]  }
0x3d: {  	_ =	shalt  }
0x3e: {  	_ =	shalt  }
0x3f: {  	_ =	shalt  }
0x40: {  	_ =	shalt  }
0x41: {  	_ =	shalt  }
0x42: {  	_ =	shalt  }
0x43: {  	_ =	shalt  }
0x44: {  	_ =	shalt  }
0x45: {  	_ =	shalt  }
0x46: {  	_ =	shalt  }
0x47: {  	_ =	shalt  }
0x48: {  	_ =	shalt  }
0x49: {  	_ =	shalt  }
0x4a: {  	_ =	shalt  }
0x4b: {  	_ =	shalt  }
0x4c: {  	_ =	shalt  }
0x4d: {  	_ =	shalt  }
0x4e: {  	_ =	shalt  }
0x4f: {  	_ =	shalt  }
0x50: {  	_ =	shalt  }
0x51: {  	_ =	shalt  }
0x52: {  	_ =	shalt  }
0x53: {  	_ =	shalt  }
0x54: {  	_ =	shalt  }
0x55: {  	_ =	shalt  }
0x56: {  	_ =	shalt  }
0x57: {  	_ =	shalt  }
0x58: {  	_ =	shalt  }
0x59: {  	_ =	shalt  }
0x5a: {  	_ =	shalt  }
0x5b: {  	_ =	shalt  }
0x5c: {  	_ =	shalt  }
0x5d: {  	_ =	shalt  }
0x5e: {  	_ =	shalt  }
0x5f: {  	_ =	shalt  }
0x60: {  	_ =	shalt  }
0x61: {  	_ =	shalt  }
0x62: {  	_ =	shalt  }
0x63: {  	_ =	shalt  }
0x64: {  	_ =	shalt  }
0x65: {  	_ =	shalt  }
0x66: {  	_ =	shalt  }
0x67: {  	_ =	shalt  }
0x68: {  	_ =	shalt  }
0x69: {  	_ =	shalt  }
0x6a: {  	_ =	shalt  }
0x6b: {  	_ =	shalt  }
0x6c: {  	_ =	shalt  }
0x6d: {  	_ =	shalt  }
0x6e: {  	_ =	shalt  }
0x6f: {  	_ =	shalt  }
0x70: {  	_ =	shalt  }
0x71: {  	_ =	shalt  }
0x72: {  	_ =	shalt  }
0x73: {  	_ =	shalt  }
0x74: {  	_ =	shalt  }
0x75: {  	_ =	shalt  }
0x76: {  	_ =	shalt  }
0x77: {  	_ =	shalt  }
0x78: {  	_ =	shalt  }
0x79: {  	_ =	shalt  }
0x7a: {  	_ =	shalt  }
0x7b: {  	_ =	shalt  }
0x7c: {  	_ =	shalt  }
0x7d: {  	_ =	shalt  }
0x7e: {  	_ =	shalt  }
0x7f: {  	_ =	shalt  }
0x80: {  	_ =	shalt  }
0x81: {  	_ =	shalt  }
0x82: {  	_ =	shalt  }
0x83: {  	_ =	shalt  }
0x84: {  	_ =	shalt  }
0x85: {  	_ =	shalt  }
0x86: {  	_ =	shalt  }
0x87: {  	_ =	shalt  }
.Lfunc_end0:
.L_simem_size_0:
called_computation.1_lowered:
.L_overlay_start_0:
0x88: {  	s2 =	sld [smem:$0x3FD9]  }
0x89: {  	s3 =	sld [smem:$0x3FFE];
	_ =	sdelay $0x1  }
0x8a: {  	s1 =	srdreg.scid  }
0x8b: {  	s0 =	sand.u32 $0x1, s1  }
0x8c: {  	s17 =	sshll.u32 s0, $0xA;
	s2 =	sadd.s32 s3, s2  }
0x8d: {  	s2 =	sadd.s32 s2, s17  }
0x8e: {  	[smem:$0x3FC2] =	sst s2  }
0x8f: {  	_ = 	snop  }
0x90: {  	s2 =	sld [smem:$0x3FD0];
	(tm) =	ssettm $0x1  }
0x91: {  	s18 =	sld [smem:$0x3FFB];
	_ =	sdelay $0x3  }
0x92: {  	_ =	strace s18  }
0x93: {  	s3 =	sld [smem:$0x3FFC];
	_ =	sdelay $0x3  }
0x94: {  	_ =	strace s3  }
0x95: {  	s3 =	sld [smem:$0x3FFD];
	_ =	sdelay $0x3  }
0x96: {  	_ =	strace s3  }
0x97: {  	_ =	strace $0x8FFFFFFF  }
0x98: {  	s19 =	sld [smem:$0x3FDB];
	_ =	sdelay $0x1  }
0x99: {  	s4 =	simm.s32 $_scs_section_size  }
0x9a: {  	s5 =	simm.s32 $_size__tile_overlayer_lowered;
	s6 =	simm.s32 $_tile_overlayer_lowered  }
0x9b: {  	s22 =	simm.s32 $0x1BFF;
	s21 =	sshll.u32 s6, $0x1;
	s3 =	sadd.s32 s4, s19  }
0x9c: {  	s7 =	simm.s32 $0x0;
	s20 =	sshll.u32 s5, $0x1;
	s5 =	sadd.s32 s21, s3  }
0x9d: {  	[timem:s7], [sflag:s22] =	dma.local [hbm:s5], s20  }
0x9e: {  	_ =	swait.ge [sflag:s22], s20  }
0x9f: {  	s4 =	ssub.s32 $0x0, s20;
	[sflag:s22] =	ssyncset.done $0x0  }
0xa0: {  	[sflag:s22] =	ssyncadd.s32 s4;
	_ =	sdelay $0x1  }
0xa1: {  	s23 =	simm.s32 $0x1B8B  }
0xa2: {  	_ =	swait.ge [sflag:s23], $0x1  }
0xa3: {  	[sflag:s23] =	ssyncset.done $0x0  }
0xa4: {  	s25 =	simm.s32 $0x1B8E;
	s24 =	sld [smem:$0x3FFE];
	[sflag:s23] =	ssyncadd.s32 $0xFFFFFFFF  }
0xa5: {  	s26 =	simm.s32 $execute0_lowered;
	[smem:$0x3FD2] =	sst s25  }
0xa6: {  	s5 =	sshll.u32 s26, $0x1;
	_ =	strace $0x80000049;
	[dreg:$0x1] =	wrdreg $0xFFFFFFFF  }
0xa7: {  	s28 =	simm.s32 $_size_execute0_lowered;
	s3 =	sadd.s32 s3, s5;
	[dreg:$0x0] =	wrdreg $0x0  }
0xa8: {  	s5 =	sshll.u32 s28, $0x1;
	[dreg:$0x2] =	wrdreg s3  }
0xa9: {  	[dreg:$0x3] =	wrdreg s5  }
0xaa: {  	[dreg:$0x4] =	wrdreg $0xC0  }
0xab: {  	_ =	task [dreg:s7], $0x5FFFF  }
0xac: {  	[dreg:$0x1] =	wrdreg $0xFFFFFFFF  }
0xad: {  	[dreg:$0x0] =	wrdreg $0x60  }
0xae: {  	[dreg:$0x2] =	wrdreg s24  }
0xaf: {  	[dreg:$0x3] =	wrdreg s2  }
0xb0: {  	[dreg:$0x4] =	wrdreg $0x0  }
0xb1: {  	[dreg:$0x5] =	wrdreg $0x9  }
0xb2: {  	_ =	task.clear_ibuf [dreg:s7], $0x6FFFF;
	_ =	strace $0x90000049  }
0xb3: {  	s29 =	simm.s32 $0x9;
	_ =	strace $0x8000004B  }
0xb4: {  	_ =	swait.ge [sflag:s29], $0x1  }
0xb5: {  	[sflag:s29] =	ssyncadd.s32 $0xFFFFFFFF  }
0xb6: {  	_ =	strace $0x9000004B  }
0xb7: {  	_ =	sfence  }
0xb8: {  	s30 =	sld [smem:$0x0];
	_ =	sdelay $0x2  }
0xb9: {  	s31 =	sshll.u32 s1, $0xD;
	s1 =	sshrl.u32 s1, $0x2  }
0xba: {  	s3 =	sand.u32 $0x4000, s31;
	s1 =	sadd.s32 s1, s30  }
0xbb: {  	s0 =	sor.u32 s3, s0;
	s1 =	sshll.u32 s1, $0x11  }
0xbc: {  	s0 =	sor.u32 s1, s0  }
0xbd: {  	s0 =	sadd.s32 $0x8F2B, s0  }
0xbe: {  	[sflag:s0] =	ssyncadd.remote.s32 $0x1  }
0xbf: {  	_ =	sfence.sel $0xFFFF  }
0xc0: {  	[dreg:$0x0] =	wrdreg $0xFFFFFFFF;
	(pc) =	sbr.abs _section_cstart, $3  }
0xc1: {  	[dreg:$0x1] =	wrdreg $0xFFFFFFFF  }
0xc2: {  	_ =	task.clear_ibuf [dreg:s7], $0x2FFFF;
	_ =	strace $0x9FFFFFFF  }
0xc3: {  	(tm) =	ssettm $0x7FFFFFFF  }
tec
execute0_lowered:
.L_overlay_start_1:
0x0: {  	(tag) =	ssettag $0x1  }
0x1: {  	s1 =	srdreg.scid;
	s5 =	rddreg [dreg:$0x0]  }
0x2: {  	s0 =	stileid.u32;
	s8 =	rddreg [dreg:$0x1]  }
0x3: {  	s2 =	rddreg [dreg:$0x2];
	s3 =	simm.s32 $0x0;
	s16 =	simm.s32 $0x19400  }
0x4: {  	s17 =	simm.s32 $0x1;
	s18 =	simm.s32 $0x0;
	s6 =	sand.u32 $0x1, s1  }
0x5: {  	s26 =	sshll.u32 s0, $0x1;
	s7 =	smul.u32 $0x13C00, s0;
	[smem:$0x7FF] =	sst s3  }
0x6: {  	s4 =	sadd.s32 $0x1600, s5;
	s28 =	smul.u32 $0x4F000, s0;
	s31 =	sshll.u32 s0, $0x6  }
0x7: {  	s1 =	sor.u32 s6, s26;
	s10 =	smul.u32 $0x13C000, s6;
	s6 =	ssub.s32 $0x2, s6  }
0x8: {  	s9 =	smul.u32 $0x580, s1;
	s1 =	rddreg [dreg:$0x3];
	_ =	strace $0x8000004A  }
0x9: {  	s12 =	sshrl.u32 s7, $0x3;
	s29 =	sshrl.u32 s6, $0x1;
	s30 =	sshrl.u32 s28, $0x2  }
0xa: {  	s7 =	sadd.s32 s7, s10;
	s12 =	sadd.s32 s12, s5;
	s14 =	ssub.s32 s6, s29  }
0xb: {  	s15 =	sadd.s32 s30, s2;
	s6 =	sor.u32 $0x1C02, s31;
	s11 =	sadd.s32 s9, s5  }
0xc: {  	s7 =	sshrl.u32 s7, $0x3;
	s8 =	sadd.s32 s8, s9;
	s10 =	smax.u32 s14, $0x1  }
0xd: {  	s14 =	simm.s32 $0x16800;
	s13 =	sadd.s32 s7, s5;
	s5 =	sadd.s32 $0x28E00, s12  }
0xe: {  	s7 =	sadd.s32 $0x78600, s11;
	s11 =	sshrl.u32 s15, $0x3;
	s12 =	simm.s32 $0x2  }
0xf: {  	s15 =	simm.s32 $0x80;
	s9 =	sadd.s32 $0x83600, s13;
	s13 =	simm.s32 $0x13C00  }
.LBB2_1:
0x10: {  	[spmem:s11], [sflag:s6] =	dma.local [hbm:s5], $0x2780  }
0x11: {  	_ =	swait.ge [sflag:s12], $0x2780  }
0x12: {  	[sflag:s12] =	ssyncset.done $0x0  }
0x13: {  	[sflag:s12] =	ssyncadd.s32 $0xFFFFD880  }
0x14: {  	[tilespmem:s13], [sflag:$0x2] =	stream.linear.gather [hbm4b:s7+s3], $0x2880, $0x38;
	[tilespmem:$0x1D400] =	vst v63  }
0x15: {  	_ =	swait.ge [sflag:s12], $0x2880  }
0x16: {  	[sflag:s12] =	ssyncset.done $0x0  }
0x17: {  	[sflag:s12] =	ssyncadd.s32 $0xFFFFD780  }
0x18: {  	[tilespmem:s14], [sflag:$0x2] =	stream.linear.gather [hbm4b:s8+s3], $0x2880, $0x38;
	[tilespmem:$0x1D400] =	vst v63  }
0x19: {  	_ =	swait.ge [sflag:s12], $0x2880  }
0x1a: {  	[sflag:s12] =	ssyncset.done $0x0  }
0x1b: {  	[sflag:s12] =	ssyncadd.s32 $0xFFFFD780  }
0x1c: {  	s19 =	simm.s32 $0x13C00;
	[bflag:$0x0] =	sbarrier.arrive $0xFFFF  }
0x1d: {  	[tilespmem:s16], [sflag:$0x1] =	stream.indirect.gather [hbm4b:s4+s15], $0x80, s19, s15, $0xb8;
	[tilespmem:$0x1D400] =	vst v63  }
0x1e: {  	_ =	swait.ge [sflag:s17], $0x4000  }
0x1f: {  	[sflag:s17] =	ssyncset.done $0x0  }
0x20: {  	s31 =	simm.s32 $0x16800;
	[sflag:s17] =	ssyncadd.s32 $0xFFFFC000  }
0x21: {  	[spmem:s2] =	stream.indirect.scatter.add.f32 [tilespmem:s16], [sflag:$0x2], $0x80, s31, s15, $0xb8;
	[tilespmem:$0x1D400] =	vst v63  }
0x22: {  	_ =	swait.ge [sflag:s12], $0x4000  }
0x23: {  	s20 =	simm.s32 $0x400;
	s19 =	simm.s32 $0x80;
	[sflag:s12] =	ssyncset.done $0x0  }
.LBB2_2:
0x24: {  	s21 =	sadd.s32 $0x13C00, s19  }
0x25: {  	[sflag:s12] =	ssyncadd.s32 $0xFFFFC000;
	s22 =	smov.u32 s20;
	s23 =	sadd.s32 $0x200, s20  }
0x26: {  	[tilespmem:s16], [sflag:$0x1] =	stream.indirect.gather [hbm4b:s4+s15], $0x80, s21, s15, $0xb8;
	[tilespmem:$0x1D400] =	vst v63  }
0x27: {  	p0 =	sne.s32 s20, $0xA000;
	_ =	swait.ge [sflag:s17], $0x4000  }
.Ltmp0:
0x28: {  	[sflag:s17] =	ssyncset.done $0x0;
	(pc) =	sbr.rel @p0 .LBB2_2-.Ltmp0, $4  }
0x29: {  	s19 =	sadd.s32 $0x16800, s19;
	[sflag:s17] =	ssyncadd.s32 $0xFFFFC000  }
0x2a: {  	[spmem:s2] =	stream.indirect.scatter.add.f32 [tilespmem:s16], [sflag:$0x2], $0x80, s19, s15, $0xb8;
	[tilespmem:$0x1D400] =	vst v63  }
0x2b: {  	_ =	swait.ge [sflag:s12], $0x4000  }
0x2c: {  	s20 =	smov.u32 s23;
	s19 =	sshra.s32 s22, $0x2;
	[sflag:s12] =	ssyncset.done $0x0  }
0x2d: {  	s20 =	sadd.s32 $0x13C00, s19;
	[sflag:s12] =	ssyncadd.s32 $0xFFFFC000  }
0x2e: {  	[tilespmem:s16], [sflag:$0x1] =	stream.indirect.gather [hbm4b:s4+s15], $0x80, s20, s15, $0xb8;
	[tilespmem:$0x1D400] =	vst v63  }
0x2f: {  	_ =	swait.ge [sflag:s17], $0x4000  }
0x30: {  	[sflag:s17] =	ssyncset.done $0x0  }
0x31: {  	s31 =	sadd.s32 $0x16800, s19;
	[sflag:s17] =	ssyncadd.s32 $0xFFFFC000  }
0x32: {  	[spmem:s2] =	stream.indirect.scatter.add.f32 [tilespmem:s16], [sflag:$0x2], $0x80, s31, s15, $0xb8;
	[tilespmem:$0x1D400] =	vst v63  }
0x33: {  	_ =	swait.ge [sflag:s12], $0x4000  }
0x34: {  	s18 =	sadd.s32 $0x1, s18;
	[sflag:s12] =	ssyncset.done $0x0  }
0x35: {  	p0 =	sne.s32 s18, s10;
	[sflag:s12] =	ssyncadd.s32 $0xFFFFC000  }
.Ltmp1:
0x36: {  	[bflag:$0x0] =	sbarrier.arrive $0xFFFF;
	(pc) =	sbr.rel @p0 .LBB2_1-.Ltmp1, $4  }
0x37: {  	[hbm:s9], [sflag:s6] =	dma.local [spmem:s11], $0x2780  }
0x38: {  	_ =	swait.ge [sflag:s12], $0x2780  }
0x39: {  	[sflag:s12] =	ssyncset.done $0x0  }
0x3a: {  	[sflag:s12] =	ssyncadd.s32 $0xFFFFD880  }
0x3b: {  	_ =	sfence.sel $0x180000  }
0x3c: {  	[bflag:$0x0] =	sbarrier.arrive $0xFFFF  }
0x3d: {  	p0 =	sne.s32 s0, $0x0;
	_ =	strace $0x9000004A  }
0x3e: {  	s0 =	sadd.s32 @!p0 $0x100000, s1;
	[bflag:$0x2] =	sbarrier.arrive $0xFFFF  }
0x3f: {  	[sflag:s0] =	ssyncadd.tile.s32 @!p0 $0x1;
	_ =	shalt  }
.Lfunc_end2:
_tile_overlayer_lowered:
.L_overlay_start_2:
0x40: {  	(tag) =	ssettag $0x2  }
0x41: {  	s0 =	rddreg [dreg:$0x0];
	s2 =	stileid.u32  }
0x42: {  	s1 =	rddreg [dreg:$0x1];
	p0 =	sne.s32 s2, $0x0  }
0x43: {  	s3 =	rddreg [dreg:$0x2];
	[bflag:$0x3] =	sbarrier.arrive $0xFFFF;
	s2 =	simm.s32 @!p0 $0x1C02  }
0x44: {  	[timem:s3], [sflag:s2] =	dma.local @!p0 [hbm:s0], s1  }
0x45: {  	s0 =	simm.s32 @!p0 $0x2  }
0x46: {  	_ =	swait.ge @!p0 [sflag:s0], s1  }
0x47: {  	s1 =	ssub.s32 @!p0 $0x0, s1;
	[sflag:s0] =	ssyncset.done @!p0 $0x0  }
0x48: {  	[sflag:s0] =	ssyncadd.s32 @!p0 s1  }
0x49: {  	[bflag:$0x3] =	sbarrier.arrive $0xFFFF  }
0x4a: {  	_ =	shalt  }

</sc_bundles>
